<compile_context>
chip_gen: v7x
topology: tpu7x:2x2x1
jax: 0.10.2.dev20260603
libtpu: 0.0.44.dev20260713+nightly
codegen_flags: <defaults>
</compile_context>

<pallas_src>
import functools

import jax
import jax.numpy as jnp
from jax import lax
from jax.experimental import pallas as pl
from jax.experimental.pallas import tpu as pltpu
from jax.experimental.pallas import tpu_sc as plsc

D_MODEL = 64
SCALE = float(D_MODEL) ** 0.5

NC = 2
NS = 16
NW = NC * NS

BLK = 128
NBUF = 4
DT = D_MODEL // 8
TILE = 8 * BLK
SBLK = D_MODEL * BLK


def _emb_kernel(seq: int, nbt: int):
    n_rows = seq * nbt
    assert n_rows % NW == 0
    per_w = n_rows // NW
    assert per_w >= 2 * NBUF
    n_out = n_rows * D_MODEL * BLK

    mesh = plsc.VectorSubcoreMesh(core_axis_name="c", subcore_axis_name="s")

    @functools.partial(
        pl.kernel,
        out_type=jax.ShapeDtypeStruct((n_out,), jnp.float32),
        mesh=mesh,
        scratch_types=[
            pltpu.VMEM((per_w, BLK), jnp.int32),
            pltpu.VMEM((NBUF * BLK, D_MODEL), jnp.float32),
            pltpu.VMEM((NBUF * SBLK,), jnp.float32),
            pltpu.SemaphoreType.DMA((NBUF,)),
            pltpu.SemaphoreType.DMA((NBUF,)),
        ],
        compiler_params=pltpu.CompilerParams(
            use_tc_tiling_on_sc=False, needs_layout_passes=False),
    )
    def k(xt_hbm, lut_hbm, out_hbm, idx_v, gstk, sstk, gsem, ssem):
        wid = lax.axis_index("s") * NC + lax.axis_index("c")
        row0 = wid * per_w
        pltpu.sync_copy(xt_hbm.at[pl.ds(row0, per_w)], idx_v)
        iota16 = lax.iota(jnp.int32, 16)
        iota128 = iota16 * BLK
        cols_c = [iota16 + c0 for c0 in range(0, D_MODEL, 16)]

        def start_gather(jj, b):
            pltpu.async_copy(
                lut_hbm.at[idx_v.at[jj]],
                gstk.at[pl.ds(b * BLK, BLK)], gsem.at[b])

        def wait_gather(jj, b):
            pltpu.make_async_copy(
                lut_hbm.at[idx_v.at[jj]],
                gstk.at[pl.ds(b * BLK, BLK)], gsem.at[b]).wait()

        def start_store(jj, b):
            m = row0 + jj
            t = m // nbt
            bt = m - t * nbt
            base = (t * DT * nbt + bt) * TILE
            for dt in range(DT):
                pltpu.async_copy(
                    sstk.at[pl.ds(b * SBLK + dt * TILE, TILE)],
                    out_hbm.at[pl.ds(base + dt * nbt * TILE, TILE)],
                    ssem.at[b])

        def wait_store(b):
            pltpu.make_async_copy(
                sstk.at[pl.ds(b * SBLK, SBLK)],
                out_hbm.at[pl.ds(0, SBLK)], ssem.at[b]).wait()

        def transpose_scale(b):
            goff = b * BLK
            soff = b * SBLK

            @plsc.parallel_loop(0, 16)
            def _(r):
                perm = (iota16 + r) & 15
                sbase = iota128 + perm + soff
                for i0 in range(0, BLK, 16):
                    rows = perm + (goff + i0)
                    for ci, c0 in enumerate(range(0, D_MODEL, 16)):
                        vals = plsc.load_gather(gstk, [rows, cols_c[ci]])
                        plsc.store_scatter(
                            sstk, [sbase + (c0 * BLK + i0)], vals * SCALE)

        for b in range(NBUF):
            start_gather(b, b)

        def body(jj, carry):
            b = lax.rem(jj, NBUF)
            wait_gather(jj, b)

            @pl.when(jj >= NBUF)
            def _():
                wait_store(b)

            transpose_scale(b)
            start_store(jj, b)

            @pl.when(jj + NBUF < per_w)
            def _():
                start_gather(jj + NBUF, b)

            return carry

        lax.fori_loop(0, per_w, body, 0)

        for b in range(NBUF):
            wait_store(b)

    return k


def kernel(x, lut):
    batch, seq = x.shape
    nbt = batch // BLK
    xt2d = jnp.transpose(x).reshape(seq * nbt, BLK)
    out1 = _emb_kernel(seq, nbt)(xt2d, lut)
    out5 = out1.reshape(seq, DT, nbt, 8, BLK)
    return out5.transpose(2, 4, 0, 1, 3).reshape(batch, seq, D_MODEL)

# --- scband reference (transcript-rebuilt; emitter-appended) ---
"""Pipeline reference for scband-embeddings-85633057948108 (READ-ONLY COPY).

The authoritative reference and input builder live on the scoring server;
editing this copy changes nothing except your own understanding.
"""

import jax, jax.numpy as jnp
import numpy as np

D_MODEL = 64
VOCAB = 1000000

def setup_inputs(seed: int = 0) -> dict:
    key = jax.random.key(seed)
    k1, k2 = jax.random.split(key)
    x = jax.random.randint(k1, (4096, 200), 0, VOCAB, dtype=jnp.int64 if jax.config.jax_enable_x64 else jnp.int32)
    lut = jax.random.normal(k2, (VOCAB, D_MODEL), dtype=jnp.float32)
    return {"x": x, "lut": lut}

def reference(x, lut):
    emb = jnp.take(lut, x, axis=0)
    return emb * (D_MODEL ** 0.5)

if __name__ == "__main__":
    import jax
    _d = setup_inputs()
    print(jax.jit(kernel)(*tuple(_d.values())))

</pallas_src>

<mosaic_0001>
#map = affine_map<(d0, d1) -> (0, 0)>
#map1 = affine_map<(d0, d1) -> (0)>
module attributes {stable_mosaic.version = 14 : i64} {
  func.func @k(%arg0: i32, %arg1: i32, %arg2: memref<6400x128xi32, #tpu.memory_space<hbm>>, %arg3: memref<1000000x64xf32, #tpu.memory_space<hbm>>, %arg4: memref<52428800xf32, #tpu.memory_space<hbm>>, %arg5: memref<200x128xi32, #tpu.memory_space<vmem>>, %arg6: memref<512x64xf32, #tpu.memory_space<vmem>>, %arg7: memref<32768xf32, #tpu.memory_space<vmem>>, %arg8: memref<4x!tpu.dma_semaphore, #tpu.memory_space<semaphore_mem>>, %arg9: memref<4x!tpu.dma_semaphore, #tpu.memory_space<semaphore_mem>>) attributes {dimension_semantics = [#tpu.dimension_semantics<core_parallel>, #tpu.dimension_semantics<subcore_parallel>], iteration_bounds = array<i64: 2, 16>, scalar_prefetch = 0 : i64, scratch_operands = 5 : i64, tpu.core_type = #tpu.core_type<sc_vector_subcore>, window_params = [{transform_indices = #map}, {transform_indices = #map}, {transform_indices = #map1}]} {
    %mul3A = arith.constant 2 : i32
    %mul3A_0 = arith.muli %arg1, %mul3A : i32
    %add3A = arith.addi %mul3A_0, %arg0 : i32
    %mul3A_1 = arith.constant 200 : i32
    %mul3A_2 = arith.muli %add3A, %mul3A_1 : i32
    "tpu.region"() ({
      %run_scoped3A = tpu.sem_alloc : memref<!tpu.dma_semaphore, #tpu.memory_space<semaphore_mem>>
      %dma_start3A_117 = arith.constant 0 : i32
      %dma_start3A_118 = tpu.memref_slice %arg2[%mul3A_2, %dma_start3A_117] : memref<6400x128xi32, #tpu.memory_space<hbm>> -> memref<200x128xi32, #tpu.memory_space<hbm>>
      %dma_start3A_119 = arith.constant 0 : i32
      %dma_start3A_120 = tpu.memref_slice %arg2[%mul3A_2, %dma_start3A_119] : memref<6400x128xi32, #tpu.memory_space<hbm>> -> memref<200x128xi32, #tpu.memory_space<hbm>>
      tpu.enqueue_dma source(%dma_start3A_120 : memref<200x128xi32, #tpu.memory_space<hbm>>) target(%arg5 : memref<200x128xi32, #tpu.memory_space<vmem>>) target_semaphore(%run_scoped3A : memref<!tpu.dma_semaphore, #tpu.memory_space<semaphore_mem>>)
      %dma_wait3A_121 = arith.constant 0 : i32
      %dma_wait3A_122 = tpu.memref_slice %arg2[%mul3A_2, %dma_wait3A_121] : memref<6400x128xi32, #tpu.memory_space<hbm>> -> memref<200x128xi32, #tpu.memory_space<hbm>>
      %dma_wait3A_123 = arith.constant 0 : i32
      %dma_wait3A_124 = tpu.memref_slice %arg2[%mul3A_2, %dma_wait3A_123] : memref<6400x128xi32, #tpu.memory_space<hbm>> -> memref<200x128xi32, #tpu.memory_space<hbm>>
      tpu.wait_dma2 semaphore(%run_scoped3A : memref<!tpu.dma_semaphore, #tpu.memory_space<semaphore_mem>>) src(%dma_wait3A_124 : memref<200x128xi32, #tpu.memory_space<hbm>>) dst(%arg5 : memref<200x128xi32, #tpu.memory_space<vmem>>)
      tpu.yield
    }) : () -> ()
    %iota3A = tpu.iota {dimensions = array<i32: 0>} : vector<16xi32>
    %mul3A_3 = arith.constant 128 : i32
    %mul3A_4 = vector.broadcast %mul3A_3 : i32 to vector<16xi32>
    %mul3A_5 = arith.muli %iota3A, %mul3A_4 : vector<16xi32>
    %add3A_6 = arith.constant 0 : i32
    %add3A_7 = vector.broadcast %add3A_6 : i32 to vector<16xi32>
    %add3A_8 = arith.addi %iota3A, %add3A_7 : vector<16xi32>
    %add3A_9 = arith.constant 16 : i32
    %add3A_10 = vector.broadcast %add3A_9 : i32 to vector<16xi32>
    %add3A_11 = arith.addi %iota3A, %add3A_10 : vector<16xi32>
    %add3A_12 = arith.constant 32 : i32
    %add3A_13 = vector.broadcast %add3A_12 : i32 to vector<16xi32>
    %add3A_14 = arith.addi %iota3A, %add3A_13 : vector<16xi32>
    %add3A_15 = arith.constant 48 : i32
    %add3A_16 = vector.broadcast %add3A_15 : i32 to vector<16xi32>
    %add3A_17 = arith.addi %iota3A, %add3A_16 : vector<16xi32>
    %dma_start3A = arith.constant 0 : i32
    %dma_start3A_18 = arith.constant 0 : i32
    %dma_start3A_19 = arith.constant 0 : i32
    %dma_start3A_20 = arith.constant 0 : i32
    %dma_start3A_21 = tpu.memref_slice %arg6[%dma_start3A_19, %dma_start3A_20] : memref<512x64xf32, #tpu.memory_space<vmem>> -> memref<128x64xf32, #tpu.memory_space<vmem>>
    %dma_start3A_22 = arith.constant 0 : i32
    %dma_start3A_23 = tpu.memref_slice %arg5[%dma_start3A, %dma_start3A_22] : memref<200x128xi32, #tpu.memory_space<vmem>> -> memref<1x128xi32, #tpu.memory_space<vmem>>
    %dma_start3A_24 = tpu.memref_squeeze %dma_start3A_23 : memref<1x128xi32, #tpu.memory_space<vmem>> -> memref<128xi32, #tpu.memory_space<vmem>>
    %dma_start3A_25 = arith.constant 0 : i32
    %dma_start3A_26 = arith.constant 0 : i32
    %dma_start3A_27 = tpu.memref_slice %arg3[%dma_start3A_25, %dma_start3A_26] : memref<1000000x64xf32, #tpu.memory_space<hbm>> -> memref<1000000x64xf32, #tpu.memory_space<hbm>>
    %dma_start3A_28 = tpu.memref_slice %arg8[%dma_start3A_18] : memref<4x!tpu.dma_semaphore, #tpu.memory_space<semaphore_mem>> -> memref<1x!tpu.dma_semaphore, #tpu.memory_space<semaphore_mem>>
    %dma_start3A_29 = tpu.memref_squeeze %dma_start3A_28 : memref<1x!tpu.dma_semaphore, #tpu.memory_space<semaphore_mem>> -> memref<!tpu.dma_semaphore, #tpu.memory_space<semaphore_mem>>
    tpu.enqueue_indirect_dma source(%dma_start3A_27 : memref<1000000x64xf32, #tpu.memory_space<hbm>>) target(%dma_start3A_21 : memref<128x64xf32, #tpu.memory_space<vmem>>) offsets(%dma_start3A_24 : memref<128xi32, #tpu.memory_space<vmem>>) semaphore(%dma_start3A_29 : memref<!tpu.dma_semaphore, #tpu.memory_space<semaphore_mem>>)
    %dma_start3A_30 = arith.constant 1 : i32
    %dma_start3A_31 = arith.constant 1 : i32
    %dma_start3A_32 = arith.constant 128 : i32
    %dma_start3A_33 = arith.constant 0 : i32
    %dma_start3A_34 = tpu.memref_slice %arg6[%dma_start3A_32, %dma_start3A_33] : memref<512x64xf32, #tpu.memory_space<vmem>> -> memref<128x64xf32, #tpu.memory_space<vmem>>
    %dma_start3A_35 = arith.constant 0 : i32
    %dma_start3A_36 = tpu.memref_slice %arg5[%dma_start3A_30, %dma_start3A_35] : memref<200x128xi32, #tpu.memory_space<vmem>> -> memref<1x128xi32, #tpu.memory_space<vmem>>
    %dma_start3A_37 = tpu.memref_squeeze %dma_start3A_36 : memref<1x128xi32, #tpu.memory_space<vmem>> -> memref<128xi32, #tpu.memory_space<vmem>>
    %dma_start3A_38 = arith.constant 0 : i32
    %dma_start3A_39 = arith.constant 0 : i32
    %dma_start3A_40 = tpu.memref_slice %arg3[%dma_start3A_38, %dma_start3A_39] : memref<1000000x64xf32, #tpu.memory_space<hbm>> -> memref<1000000x64xf32, #tpu.memory_space<hbm>>
    %dma_start3A_41 = tpu.memref_slice %arg8[%dma_start3A_31] : memref<4x!tpu.dma_semaphore, #tpu.memory_space<semaphore_mem>> -> memref<1x!tpu.dma_semaphore, #tpu.memory_space<semaphore_mem>>
    %dma_start3A_42 = tpu.memref_squeeze %dma_start3A_41 : memref<1x!tpu.dma_semaphore, #tpu.memory_space<semaphore_mem>> -> memref<!tpu.dma_semaphore, #tpu.memory_space<semaphore_mem>>
    tpu.enqueue_indirect_dma source(%dma_start3A_40 : memref<1000000x64xf32, #tpu.memory_space<hbm>>) target(%dma_start3A_34 : memref<128x64xf32, #tpu.memory_space<vmem>>) offsets(%dma_start3A_37 : memref<128xi32, #tpu.memory_space<vmem>>) semaphore(%dma_start3A_42 : memref<!tpu.dma_semaphore, #tpu.memory_space<semaphore_mem>>)
    %dma_start3A_43 = arith.constant 2 : i32
    %dma_start3A_44 = arith.constant 2 : i32
    %dma_start3A_45 = arith.constant 256 : i32
    %dma_start3A_46 = arith.constant 0 : i32
    %dma_start3A_47 = tpu.memref_slice %arg6[%dma_start3A_45, %dma_start3A_46] : memref<512x64xf32, #tpu.memory_space<vmem>> -> memref<128x64xf32, #tpu.memory_space<vmem>>
    %dma_start3A_48 = arith.constant 0 : i32
    %dma_start3A_49 = tpu.memref_slice %arg5[%dma_start3A_43, %dma_start3A_48] : memref<200x128xi32, #tpu.memory_space<vmem>> -> memref<1x128xi32, #tpu.memory_space<vmem>>
    %dma_start3A_50 = tpu.memref_squeeze %dma_start3A_49 : memref<1x128xi32, #tpu.memory_space<vmem>> -> memref<128xi32, #tpu.memory_space<vmem>>
    %dma_start3A_51 = arith.constant 0 : i32
    %dma_start3A_52 = arith.constant 0 : i32
    %dma_start3A_53 = tpu.memref_slice %arg3[%dma_start3A_51, %dma_start3A_52] : memref<1000000x64xf32, #tpu.memory_space<hbm>> -> memref<1000000x64xf32, #tpu.memory_space<hbm>>
    %dma_start3A_54 = tpu.memref_slice %arg8[%dma_start3A_44] : memref<4x!tpu.dma_semaphore, #tpu.memory_space<semaphore_mem>> -> memref<1x!tpu.dma_semaphore, #tpu.memory_space<semaphore_mem>>
    %dma_start3A_55 = tpu.memref_squeeze %dma_start3A_54 : memref<1x!tpu.dma_semaphore, #tpu.memory_space<semaphore_mem>> -> memref<!tpu.dma_semaphore, #tpu.memory_space<semaphore_mem>>
    tpu.enqueue_indirect_dma source(%dma_start3A_53 : memref<1000000x64xf32, #tpu.memory_space<hbm>>) target(%dma_start3A_47 : memref<128x64xf32, #tpu.memory_space<vmem>>) offsets(%dma_start3A_50 : memref<128xi32, #tpu.memory_space<vmem>>) semaphore(%dma_start3A_55 : memref<!tpu.dma_semaphore, #tpu.memory_space<semaphore_mem>>)
    %dma_start3A_56 = arith.constant 3 : i32
    %dma_start3A_57 = arith.constant 3 : i32
    %dma_start3A_58 = arith.constant 384 : i32
    %dma_start3A_59 = arith.constant 0 : i32
    %dma_start3A_60 = tpu.memref_slice %arg6[%dma_start3A_58, %dma_start3A_59] : memref<512x64xf32, #tpu.memory_space<vmem>> -> memref<128x64xf32, #tpu.memory_space<vmem>>
    %dma_start3A_61 = arith.constant 0 : i32
    %dma_start3A_62 = tpu.memref_slice %arg5[%dma_start3A_56, %dma_start3A_61] : memref<200x128xi32, #tpu.memory_space<vmem>> -> memref<1x128xi32, #tpu.memory_space<vmem>>
    %dma_start3A_63 = tpu.memref_squeeze %dma_start3A_62 : memref<1x128xi32, #tpu.memory_space<vmem>> -> memref<128xi32, #tpu.memory_space<vmem>>
    %dma_start3A_64 = arith.constant 0 : i32
    %dma_start3A_65 = arith.constant 0 : i32
    %dma_start3A_66 = tpu.memref_slice %arg3[%dma_start3A_64, %dma_start3A_65] : memref<1000000x64xf32, #tpu.memory_space<hbm>> -> memref<1000000x64xf32, #tpu.memory_space<hbm>>
    %dma_start3A_67 = tpu.memref_slice %arg8[%dma_start3A_57] : memref<4x!tpu.dma_semaphore, #tpu.memory_space<semaphore_mem>> -> memref<1x!tpu.dma_semaphore, #tpu.memory_space<semaphore_mem>>
    %dma_start3A_68 = tpu.memref_squeeze %dma_start3A_67 : memref<1x!tpu.dma_semaphore, #tpu.memory_space<semaphore_mem>> -> memref<!tpu.dma_semaphore, #tpu.memory_space<semaphore_mem>>
    tpu.enqueue_indirect_dma source(%dma_start3A_66 : memref<1000000x64xf32, #tpu.memory_space<hbm>>) target(%dma_start3A_60 : memref<128x64xf32, #tpu.memory_space<vmem>>) offsets(%dma_start3A_63 : memref<128xi32, #tpu.memory_space<vmem>>) semaphore(%dma_start3A_68 : memref<!tpu.dma_semaphore, #tpu.memory_space<semaphore_mem>>)
    %scan3A = arith.constant 0 : i32
    %scan3A_69 = arith.constant 0 : i32
    %scan3A_70 = arith.constant 200 : i32
    %scan3A_71 = arith.addi %scan3A_69, %scan3A_70 : i32
    %scan3A_72 = arith.constant 1 : i32
    scf.for %scan3A_117 = %scan3A_69 to %scan3A_71 step %scan3A_72  : i32 {
      %rem3A = arith.constant 4 : i32
      %rem3A_118 = arith.remsi %scan3A_117, %rem3A : i32
      %mul3A_119 = arith.constant 128 : i32
      %mul3A_120 = arith.muli %rem3A_118, %mul3A_119 : i32
      %dma_wait3A_121 = arith.constant 0 : i32
      %dma_wait3A_122 = tpu.memref_slice %arg6[%mul3A_120, %dma_wait3A_121] : memref<512x64xf32, #tpu.memory_space<vmem>> -> memref<128x64xf32, #tpu.memory_space<vmem>>
      %dma_wait3A_123 = arith.constant 0 : i32
      %dma_wait3A_124 = tpu.memref_slice %arg5[%scan3A_117, %dma_wait3A_123] : memref<200x128xi32, #tpu.memory_space<vmem>> -> memref<1x128xi32, #tpu.memory_space<vmem>>
      %dma_wait3A_125 = tpu.memref_squeeze %dma_wait3A_124 : memref<1x128xi32, #tpu.memory_space<vmem>> -> memref<128xi32, #tpu.memory_space<vmem>>
      %dma_wait3A_126 = arith.constant 0 : i32
      %dma_wait3A_127 = arith.constant 0 : i32
      %dma_wait3A_128 = tpu.memref_slice %arg3[%dma_wait3A_126, %dma_wait3A_127] : memref<1000000x64xf32, #tpu.memory_space<hbm>> -> memref<1000000x64xf32, #tpu.memory_space<hbm>>
      %dma_wait3A_129 = tpu.memref_slice %arg8[%rem3A_118] : memref<4x!tpu.dma_semaphore, #tpu.memory_space<semaphore_mem>> -> memref<1x!tpu.dma_semaphore, #tpu.memory_space<semaphore_mem>>
      %dma_wait3A_130 = tpu.memref_squeeze %dma_wait3A_129 : memref<1x!tpu.dma_semaphore, #tpu.memory_space<semaphore_mem>> -> memref<!tpu.dma_semaphore, #tpu.memory_space<semaphore_mem>>
      tpu.wait_indirect_dma semaphore(%dma_wait3A_130 : memref<!tpu.dma_semaphore, #tpu.memory_space<semaphore_mem>>) src(%dma_wait3A_128 : memref<1000000x64xf32, #tpu.memory_space<hbm>>) dst(%dma_wait3A_122 : memref<128x64xf32, #tpu.memory_space<vmem>>)
      %ge3A = arith.constant 4 : i32
      %ge3A_131 = arith.cmpi sge, %scan3A_117, %ge3A : i32
      %convert_element_type3A = arith.extui %ge3A_131 : i1 to i32
      %cond3A = arith.constant 0 : i32
      %cond3A_132 = arith.cmpi ne, %convert_element_type3A, %cond3A : i32
      scf.if %cond3A_132 {
        %mul3A_269 = arith.constant 8192 : i32
        %mul3A_270 = arith.muli %rem3A_118, %mul3A_269 : i32
        %dma_wait3A_271 = tpu.memref_slice %arg7[%mul3A_270] : memref<32768xf32, #tpu.memory_space<vmem>> -> memref<8192xf32, #tpu.memory_space<vmem>>
        %dma_wait3A_272 = arith.constant 0 : i32
        %dma_wait3A_273 = tpu.memref_slice %arg4[%dma_wait3A_272] : memref<52428800xf32, #tpu.memory_space<hbm>> -> memref<8192xf32, #tpu.memory_space<hbm>>
        %dma_wait3A_274 = tpu.memref_slice %arg9[%rem3A_118] : memref<4x!tpu.dma_semaphore, #tpu.memory_space<semaphore_mem>> -> memref<1x!tpu.dma_semaphore, #tpu.memory_space<semaphore_mem>>
        %dma_wait3A_275 = tpu.memref_squeeze %dma_wait3A_274 : memref<1x!tpu.dma_semaphore, #tpu.memory_space<semaphore_mem>> -> memref<!tpu.dma_semaphore, #tpu.memory_space<semaphore_mem>>
        %dma_wait3A_276 = arith.constant 0 : i32
        %dma_wait3A_277 = tpu.memref_slice %arg4[%dma_wait3A_276] : memref<52428800xf32, #tpu.memory_space<hbm>> -> memref<8192xf32, #tpu.memory_space<hbm>>
        %dma_wait3A_278 = tpu.memref_slice %arg7[%mul3A_270] : memref<32768xf32, #tpu.memory_space<vmem>> -> memref<8192xf32, #tpu.memory_space<vmem>>
        tpu.wait_dma2 semaphore(%dma_wait3A_275 : memref<!tpu.dma_semaphore, #tpu.memory_space<semaphore_mem>>) src(%dma_wait3A_278 : memref<8192xf32, #tpu.memory_space<vmem>>) dst(%dma_wait3A_277 : memref<8192xf32, #tpu.memory_space<hbm>>)
      } else {
      }
      %mul3A_133 = arith.constant 128 : i32
      %mul3A_134 = arith.muli %rem3A_118, %mul3A_133 : i32
      %mul3A_135 = arith.constant 8192 : i32
      %mul3A_136 = arith.muli %rem3A_118, %mul3A_135 : i32
      %parallel_loop3A = arith.constant 0 : i32
      %parallel_loop3A_137 = arith.constant 16 : i32
      %parallel_loop3A_138 = arith.constant 1 : i32
      scf.for %parallel_loop3A_269 = %parallel_loop3A to %parallel_loop3A_137 step %parallel_loop3A_138  : i32 {
        %parallel_loop3A_270 = vector.broadcast %parallel_loop3A_269 : i32 to vector<16xi32>
        %parallel_loop3A_271 = arith.addi %iota3A, %parallel_loop3A_270 : vector<16xi32>
        %parallel_loop3A_272 = arith.constant 15 : i32
        %parallel_loop3A_273 = vector.broadcast %parallel_loop3A_272 : i32 to vector<16xi32>
        %parallel_loop3A_274 = arith.andi %parallel_loop3A_271, %parallel_loop3A_273 : vector<16xi32>
        %parallel_loop3A_275 = arith.addi %mul3A_5, %parallel_loop3A_274 : vector<16xi32>
        %parallel_loop3A_276 = vector.broadcast %mul3A_136 : i32 to vector<16xi32>
        %parallel_loop3A_277 = arith.addi %parallel_loop3A_275, %parallel_loop3A_276 : vector<16xi32>
        %parallel_loop3A_278 = arith.constant 0 : i32
        %parallel_loop3A_279 = arith.addi %mul3A_134, %parallel_loop3A_278 : i32
        %parallel_loop3A_280 = vector.broadcast %parallel_loop3A_279 : i32 to vector<16xi32>
        %parallel_loop3A_281 = arith.addi %parallel_loop3A_274, %parallel_loop3A_280 : vector<16xi32>
        %parallel_loop3A_282 = tpu.vector_load_idx %arg6[%parallel_loop3A_281, %add3A_8] : memref<512x64xf32, #tpu.memory_space<vmem>>[vector<16xi32>, vector<16xi32>], vector<16xf32>,
        %parallel_loop3A_283 = arith.constant 0 : i32
        %parallel_loop3A_284 = vector.broadcast %parallel_loop3A_283 : i32 to vector<16xi32>
        %parallel_loop3A_285 = arith.addi %parallel_loop3A_277, %parallel_loop3A_284 : vector<16xi32>
        %parallel_loop3A_286 = arith.constant 8.000000e+00 : f32
        %parallel_loop3A_287 = vector.broadcast %parallel_loop3A_286 : f32 to vector<16xf32>
        %parallel_loop3A_288 = arith.mulf %parallel_loop3A_282, %parallel_loop3A_287 : vector<16xf32>
        tpu.vector_store_idx %arg7[%parallel_loop3A_285], %parallel_loop3A_288 : memref<32768xf32, #tpu.memory_space<vmem>>[vector<16xi32>], vector<16xf32>,
        %parallel_loop3A_289 = tpu.vector_load_idx %arg6[%parallel_loop3A_281, %add3A_11] : memref<512x64xf32, #tpu.memory_space<vmem>>[vector<16xi32>, vector<16xi32>], vector<16xf32>,
        %parallel_loop3A_290 = arith.constant 2048 : i32
        %parallel_loop3A_291 = vector.broadcast %parallel_loop3A_290 : i32 to vector<16xi32>
        %parallel_loop3A_292 = arith.addi %parallel_loop3A_277, %parallel_loop3A_291 : vector<16xi32>
        %parallel_loop3A_293 = arith.constant 8.000000e+00 : f32
        %parallel_loop3A_294 = vector.broadcast %parallel_loop3A_293 : f32 to vector<16xf32>
        %parallel_loop3A_295 = arith.mulf %parallel_loop3A_289, %parallel_loop3A_294 : vector<16xf32>
        tpu.vector_store_idx %arg7[%parallel_loop3A_292], %parallel_loop3A_295 : memref<32768xf32, #tpu.memory_space<vmem>>[vector<16xi32>], vector<16xf32>,
        %parallel_loop3A_296 = tpu.vector_load_idx %arg6[%parallel_loop3A_281, %add3A_14] : memref<512x64xf32, #tpu.memory_space<vmem>>[vector<16xi32>, vector<16xi32>], vector<16xf32>,
        %parallel_loop3A_297 = arith.constant 4096 : i32
        %parallel_loop3A_298 = vector.broadcast %parallel_loop3A_297 : i32 to vector<16xi32>
        %parallel_loop3A_299 = arith.addi %parallel_loop3A_277, %parallel_loop3A_298 : vector<16xi32>
        %parallel_loop3A_300 = arith.constant 8.000000e+00 : f32
        %parallel_loop3A_301 = vector.broadcast %parallel_loop3A_300 : f32 to vector<16xf32>
        %parallel_loop3A_302 = arith.mulf %parallel_loop3A_296, %parallel_loop3A_301 : vector<16xf32>
        tpu.vector_store_idx %arg7[%parallel_loop3A_299], %parallel_loop3A_302 : memref<32768xf32, #tpu.memory_space<vmem>>[vector<16xi32>], vector<16xf32>,
        %parallel_loop3A_303 = tpu.vector_load_idx %arg6[%parallel_loop3A_281, %add3A_17] : memref<512x64xf32, #tpu.memory_space<vmem>>[vector<16xi32>, vector<16xi32>], vector<16xf32>,
        %parallel_loop3A_304 = arith.constant 6144 : i32
        %parallel_loop3A_305 = vector.broadcast %parallel_loop3A_304 : i32 to vector<16xi32>
        %parallel_loop3A_306 = arith.addi %parallel_loop3A_277, %parallel_loop3A_305 : vector<16xi32>
        %parallel_loop3A_307 = arith.constant 8.000000e+00 : f32
        %parallel_loop3A_308 = vector.broadcast %parallel_loop3A_307 : f32 to vector<16xf32>
        %parallel_loop3A_309 = arith.mulf %parallel_loop3A_303, %parallel_loop3A_308 : vector<16xf32>
        tpu.vector_store_idx %arg7[%parallel_loop3A_306], %parallel_loop3A_309 : memref<32768xf32, #tpu.memory_space<vmem>>[vector<16xi32>], vector<16xf32>,
        %parallel_loop3A_310 = arith.constant 16 : i32
        %parallel_loop3A_311 = arith.addi %mul3A_134, %parallel_loop3A_310 : i32
        %parallel_loop3A_312 = vector.broadcast %parallel_loop3A_311 : i32 to vector<16xi32>
        %parallel_loop3A_313 = arith.addi %parallel_loop3A_274, %parallel_loop3A_312 : vector<16xi32>
        %parallel_loop3A_314 = tpu.vector_load_idx %arg6[%parallel_loop3A_313, %add3A_8] : memref<512x64xf32, #tpu.memory_space<vmem>>[vector<16xi32>, vector<16xi32>], vector<16xf32>,
        %parallel_loop3A_315 = arith.constant 16 : i32
        %parallel_loop3A_316 = vector.broadcast %parallel_loop3A_315 : i32 to vector<16xi32>
        %parallel_loop3A_317 = arith.addi %parallel_loop3A_277, %parallel_loop3A_316 : vector<16xi32>
        %parallel_loop3A_318 = arith.constant 8.000000e+00 : f32
        %parallel_loop3A_319 = vector.broadcast %parallel_loop3A_318 : f32 to vector<16xf32>
        %parallel_loop3A_320 = arith.mulf %parallel_loop3A_314, %parallel_loop3A_319 : vector<16xf32>
        tpu.vector_store_idx %arg7[%parallel_loop3A_317], %parallel_loop3A_320 : memref<32768xf32, #tpu.memory_space<vmem>>[vector<16xi32>], vector<16xf32>,
        %parallel_loop3A_321 = tpu.vector_load_idx %arg6[%parallel_loop3A_313, %add3A_11] : memref<512x64xf32, #tpu.memory_space<vmem>>[vector<16xi32>, vector<16xi32>], vector<16xf32>,
        %parallel_loop3A_322 = arith.constant 2064 : i32
        %parallel_loop3A_323 = vector.broadcast %parallel_loop3A_322 : i32 to vector<16xi32>
        %parallel_loop3A_324 = arith.addi %parallel_loop3A_277, %parallel_loop3A_323 : vector<16xi32>
        %parallel_loop3A_325 = arith.constant 8.000000e+00 : f32
        %parallel_loop3A_326 = vector.broadcast %parallel_loop3A_325 : f32 to vector<16xf32>
        %parallel_loop3A_327 = arith.mulf %parallel_loop3A_321, %parallel_loop3A_326 : vector<16xf32>
        tpu.vector_store_idx %arg7[%parallel_loop3A_324], %parallel_loop3A_327 : memref<32768xf32, #tpu.memory_space<vmem>>[vector<16xi32>], vector<16xf32>,
        %parallel_loop3A_328 = tpu.vector_load_idx %arg6[%parallel_loop3A_313, %add3A_14] : memref<512x64xf32, #tpu.memory_space<vmem>>[vector<16xi32>, vector<16xi32>], vector<16xf32>,
        %parallel_loop3A_329 = arith.constant 4112 : i32
        %parallel_loop3A_330 = vector.broadcast %parallel_loop3A_329 : i32 to vector<16xi32>
        %parallel_loop3A_331 = arith.addi %parallel_loop3A_277, %parallel_loop3A_330 : vector<16xi32>
        %parallel_loop3A_332 = arith.constant 8.000000e+00 : f32
        %parallel_loop3A_333 = vector.broadcast %parallel_loop3A_332 : f32 to vector<16xf32>
        %parallel_loop3A_334 = arith.mulf %parallel_loop3A_328, %parallel_loop3A_333 : vector<16xf32>
        tpu.vector_store_idx %arg7[%parallel_loop3A_331], %parallel_loop3A_334 : memref<32768xf32, #tpu.memory_space<vmem>>[vector<16xi32>], vector<16xf32>,
        %parallel_loop3A_335 = tpu.vector_load_idx %arg6[%parallel_loop3A_313, %add3A_17] : memref<512x64xf32, #tpu.memory_space<vmem>>[vector<16xi32>, vector<16xi32>], vector<16xf32>,
        %parallel_loop3A_336 = arith.constant 6160 : i32
        %parallel_loop3A_337 = vector.broadcast %parallel_loop3A_336 : i32 to vector<16xi32>
        %parallel_loop3A_338 = arith.addi %parallel_loop3A_277, %parallel_loop3A_337 : vector<16xi32>
        %parallel_loop3A_339 = arith.constant 8.000000e+00 : f32
        %parallel_loop3A_340 = vector.broadcast %parallel_loop3A_339 : f32 to vector<16xf32>
        %parallel_loop3A_341 = arith.mulf %parallel_loop3A_335, %parallel_loop3A_340 : vector<16xf32>
        tpu.vector_store_idx %arg7[%parallel_loop3A_338], %parallel_loop3A_341 : memref<32768xf32, #tpu.memory_space<vmem>>[vector<16xi32>], vector<16xf32>,
        %parallel_loop3A_342 = arith.constant 32 : i32
        %parallel_loop3A_343 = arith.addi %mul3A_134, %parallel_loop3A_342 : i32
        %parallel_loop3A_344 = vector.broadcast %parallel_loop3A_343 : i32 to vector<16xi32>
        %parallel_loop3A_345 = arith.addi %parallel_loop3A_274, %parallel_loop3A_344 : vector<16xi32>
        %parallel_loop3A_346 = tpu.vector_load_idx %arg6[%parallel_loop3A_345, %add3A_8] : memref<512x64xf32, #tpu.memory_space<vmem>>[vector<16xi32>, vector<16xi32>], vector<16xf32>,
        %parallel_loop3A_347 = arith.constant 32 : i32
        %parallel_loop3A_348 = vector.broadcast %parallel_loop3A_347 : i32 to vector<16xi32>
        %parallel_loop3A_349 = arith.addi %parallel_loop3A_277, %parallel_loop3A_348 : vector<16xi32>
        %parallel_loop3A_350 = arith.constant 8.000000e+00 : f32
        %parallel_loop3A_351 = vector.broadcast %parallel_loop3A_350 : f32 to vector<16xf32>
        %parallel_loop3A_352 = arith.mulf %parallel_loop3A_346, %parallel_loop3A_351 : vector<16xf32>
        tpu.vector_store_idx %arg7[%parallel_loop3A_349], %parallel_loop3A_352 : memref<32768xf32, #tpu.memory_space<vmem>>[vector<16xi32>], vector<16xf32>,
        %parallel_loop3A_353 = tpu.vector_load_idx %arg6[%parallel_loop3A_345, %add3A_11] : memref<512x64xf32, #tpu.memory_space<vmem>>[vector<16xi32>, vector<16xi32>], vector<16xf32>,
        %parallel_loop3A_354 = arith.constant 2080 : i32
        %parallel_loop3A_355 = vector.broadcast %parallel_loop3A_354 : i32 to vector<16xi32>
        %parallel_loop3A_356 = arith.addi %parallel_loop3A_277, %parallel_loop3A_355 : vector<16xi32>
        %parallel_loop3A_357 = arith.constant 8.000000e+00 : f32
        %parallel_loop3A_358 = vector.broadcast %parallel_loop3A_357 : f32 to vector<16xf32>
        %parallel_loop3A_359 = arith.mulf %parallel_loop3A_353, %parallel_loop3A_358 : vector<16xf32>
        tpu.vector_store_idx %arg7[%parallel_loop3A_356], %parallel_loop3A_359 : memref<32768xf32, #tpu.memory_space<vmem>>[vector<16xi32>], vector<16xf32>,
        %parallel_loop3A_360 = tpu.vector_load_idx %arg6[%parallel_loop3A_345, %add3A_14] : memref<512x64xf32, #tpu.memory_space<vmem>>[vector<16xi32>, vector<16xi32>], vector<16xf32>,
        %parallel_loop3A_361 = arith.constant 4128 : i32
        %parallel_loop3A_362 = vector.broadcast %parallel_loop3A_361 : i32 to vector<16xi32>
        %parallel_loop3A_363 = arith.addi %parallel_loop3A_277, %parallel_loop3A_362 : vector<16xi32>
        %parallel_loop3A_364 = arith.constant 8.000000e+00 : f32
        %parallel_loop3A_365 = vector.broadcast %parallel_loop3A_364 : f32 to vector<16xf32>
        %parallel_loop3A_366 = arith.mulf %parallel_loop3A_360, %parallel_loop3A_365 : vector<16xf32>
        tpu.vector_store_idx %arg7[%parallel_loop3A_363], %parallel_loop3A_366 : memref<32768xf32, #tpu.memory_space<vmem>>[vector<16xi32>], vector<16xf32>,
        %parallel_loop3A_367 = tpu.vector_load_idx %arg6[%parallel_loop3A_345, %add3A_17] : memref<512x64xf32, #tpu.memory_space<vmem>>[vector<16xi32>, vector<16xi32>], vector<16xf32>,
        %parallel_loop3A_368 = arith.constant 6176 : i32
        %parallel_loop3A_369 = vector.broadcast %parallel_loop3A_368 : i32 to vector<16xi32>
        %parallel_loop3A_370 = arith.addi %parallel_loop3A_277, %parallel_loop3A_369 : vector<16xi32>
        %parallel_loop3A_371 = arith.constant 8.000000e+00 : f32
        %parallel_loop3A_372 = vector.broadcast %parallel_loop3A_371 : f32 to vector<16xf32>
        %parallel_loop3A_373 = arith.mulf %parallel_loop3A_367, %parallel_loop3A_372 : vector<16xf32>
        tpu.vector_store_idx %arg7[%parallel_loop3A_370], %parallel_loop3A_373 : memref<32768xf32, #tpu.memory_space<vmem>>[vector<16xi32>], vector<16xf32>,
        %parallel_loop3A_374 = arith.constant 48 : i32
        %parallel_loop3A_375 = arith.addi %mul3A_134, %parallel_loop3A_374 : i32
        %parallel_loop3A_376 = vector.broadcast %parallel_loop3A_375 : i32 to vector<16xi32>
        %parallel_loop3A_377 = arith.addi %parallel_loop3A_274, %parallel_loop3A_376 : vector<16xi32>
        %parallel_loop3A_378 = tpu.vector_load_idx %arg6[%parallel_loop3A_377, %add3A_8] : memref<512x64xf32, #tpu.memory_space<vmem>>[vector<16xi32>, vector<16xi32>], vector<16xf32>,
        %parallel_loop3A_379 = arith.constant 48 : i32
        %parallel_loop3A_380 = vector.broadcast %parallel_loop3A_379 : i32 to vector<16xi32>
        %parallel_loop3A_381 = arith.addi %parallel_loop3A_277, %parallel_loop3A_380 : vector<16xi32>
        %parallel_loop3A_382 = arith.constant 8.000000e+00 : f32
        %parallel_loop3A_383 = vector.broadcast %parallel_loop3A_382 : f32 to vector<16xf32>
        %parallel_loop3A_384 = arith.mulf %parallel_loop3A_378, %parallel_loop3A_383 : vector<16xf32>
        tpu.vector_store_idx %arg7[%parallel_loop3A_381], %parallel_loop3A_384 : memref<32768xf32, #tpu.memory_space<vmem>>[vector<16xi32>], vector<16xf32>,
        %parallel_loop3A_385 = tpu.vector_load_idx %arg6[%parallel_loop3A_377, %add3A_11] : memref<512x64xf32, #tpu.memory_space<vmem>>[vector<16xi32>, vector<16xi32>], vector<16xf32>,
        %parallel_loop3A_386 = arith.constant 2096 : i32
        %parallel_loop3A_387 = vector.broadcast %parallel_loop3A_386 : i32 to vector<16xi32>
        %parallel_loop3A_388 = arith.addi %parallel_loop3A_277, %parallel_loop3A_387 : vector<16xi32>
        %parallel_loop3A_389 = arith.constant 8.000000e+00 : f32
        %parallel_loop3A_390 = vector.broadcast %parallel_loop3A_389 : f32 to vector<16xf32>
        %parallel_loop3A_391 = arith.mulf %parallel_loop3A_385, %parallel_loop3A_390 : vector<16xf32>
        tpu.vector_store_idx %arg7[%parallel_loop3A_388], %parallel_loop3A_391 : memref<32768xf32, #tpu.memory_space<vmem>>[vector<16xi32>], vector<16xf32>,
        %parallel_loop3A_392 = tpu.vector_load_idx %arg6[%parallel_loop3A_377, %add3A_14] : memref<512x64xf32, #tpu.memory_space<vmem>>[vector<16xi32>, vector<16xi32>], vector<16xf32>,
        %parallel_loop3A_393 = arith.constant 4144 : i32
        %parallel_loop3A_394 = vector.broadcast %parallel_loop3A_393 : i32 to vector<16xi32>
        %parallel_loop3A_395 = arith.addi %parallel_loop3A_277, %parallel_loop3A_394 : vector<16xi32>
        %parallel_loop3A_396 = arith.constant 8.000000e+00 : f32
        %parallel_loop3A_397 = vector.broadcast %parallel_loop3A_396 : f32 to vector<16xf32>
        %parallel_loop3A_398 = arith.mulf %parallel_loop3A_392, %parallel_loop3A_397 : vector<16xf32>
        tpu.vector_store_idx %arg7[%parallel_loop3A_395], %parallel_loop3A_398 : memref<32768xf32, #tpu.memory_space<vmem>>[vector<16xi32>], vector<16xf32>,
        %parallel_loop3A_399 = tpu.vector_load_idx %arg6[%parallel_loop3A_377, %add3A_17] : memref<512x64xf32, #tpu.memory_space<vmem>>[vector<16xi32>, vector<16xi32>], vector<16xf32>,
        %parallel_loop3A_400 = arith.constant 6192 : i32
        %parallel_loop3A_401 = vector.broadcast %parallel_loop3A_400 : i32 to vector<16xi32>
        %parallel_loop3A_402 = arith.addi %parallel_loop3A_277, %parallel_loop3A_401 : vector<16xi32>
        %parallel_loop3A_403 = arith.constant 8.000000e+00 : f32
        %parallel_loop3A_404 = vector.broadcast %parallel_loop3A_403 : f32 to vector<16xf32>
        %parallel_loop3A_405 = arith.mulf %parallel_loop3A_399, %parallel_loop3A_404 : vector<16xf32>
        tpu.vector_store_idx %arg7[%parallel_loop3A_402], %parallel_loop3A_405 : memref<32768xf32, #tpu.memory_space<vmem>>[vector<16xi32>], vector<16xf32>,
        %parallel_loop3A_406 = arith.constant 64 : i32
        %parallel_loop3A_407 = arith.addi %mul3A_134, %parallel_loop3A_406 : i32
        %parallel_loop3A_408 = vector.broadcast %parallel_loop3A_407 : i32 to vector<16xi32>
        %parallel_loop3A_409 = arith.addi %parallel_loop3A_274, %parallel_loop3A_408 : vector<16xi32>
        %parallel_loop3A_410 = tpu.vector_load_idx %arg6[%parallel_loop3A_409, %add3A_8] : memref<512x64xf32, #tpu.memory_space<vmem>>[vector<16xi32>, vector<16xi32>], vector<16xf32>,
        %parallel_loop3A_411 = arith.constant 64 : i32
        %parallel_loop3A_412 = vector.broadcast %parallel_loop3A_411 : i32 to vector<16xi32>
        %parallel_loop3A_413 = arith.addi %parallel_loop3A_277, %parallel_loop3A_412 : vector<16xi32>
        %parallel_loop3A_414 = arith.constant 8.000000e+00 : f32
        %parallel_loop3A_415 = vector.broadcast %parallel_loop3A_414 : f32 to vector<16xf32>
        %parallel_loop3A_416 = arith.mulf %parallel_loop3A_410, %parallel_loop3A_415 : vector<16xf32>
        tpu.vector_store_idx %arg7[%parallel_loop3A_413], %parallel_loop3A_416 : memref<32768xf32, #tpu.memory_space<vmem>>[vector<16xi32>], vector<16xf32>,
        %parallel_loop3A_417 = tpu.vector_load_idx %arg6[%parallel_loop3A_409, %add3A_11] : memref<512x64xf32, #tpu.memory_space<vmem>>[vector<16xi32>, vector<16xi32>], vector<16xf32>,
        %parallel_loop3A_418 = arith.constant 2112 : i32
        %parallel_loop3A_419 = vector.broadcast %parallel_loop3A_418 : i32 to vector<16xi32>
        %parallel_loop3A_420 = arith.addi %parallel_loop3A_277, %parallel_loop3A_419 : vector<16xi32>
        %parallel_loop3A_421 = arith.constant 8.000000e+00 : f32
        %parallel_loop3A_422 = vector.broadcast %parallel_loop3A_421 : f32 to vector<16xf32>
        %parallel_loop3A_423 = arith.mulf %parallel_loop3A_417, %parallel_loop3A_422 : vector<16xf32>
        tpu.vector_store_idx %arg7[%parallel_loop3A_420], %parallel_loop3A_423 : memref<32768xf32, #tpu.memory_space<vmem>>[vector<16xi32>], vector<16xf32>,
        %parallel_loop3A_424 = tpu.vector_load_idx %arg6[%parallel_loop3A_409, %add3A_14] : memref<512x64xf32, #tpu.memory_space<vmem>>[vector<16xi32>, vector<16xi32>], vector<16xf32>,
        %parallel_loop3A_425 = arith.constant 4160 : i32
        %parallel_loop3A_426 = vector.broadcast %parallel_loop3A_425 : i32 to vector<16xi32>
        %parallel_loop3A_427 = arith.addi %parallel_loop3A_277, %parallel_loop3A_426 : vector<16xi32>
        %parallel_loop3A_428 = arith.constant 8.000000e+00 : f32
        %parallel_loop3A_429 = vector.broadcast %parallel_loop3A_428 : f32 to vector<16xf32>
        %parallel_loop3A_430 = arith.mulf %parallel_loop3A_424, %parallel_loop3A_429 : vector<16xf32>
        tpu.vector_store_idx %arg7[%parallel_loop3A_427], %parallel_loop3A_430 : memref<32768xf32, #tpu.memory_space<vmem>>[vector<16xi32>], vector<16xf32>,
        %parallel_loop3A_431 = tpu.vector_load_idx %arg6[%parallel_loop3A_409, %add3A_17] : memref<512x64xf32, #tpu.memory_space<vmem>>[vector<16xi32>, vector<16xi32>], vector<16xf32>,
        %parallel_loop3A_432 = arith.constant 6208 : i32
        %parallel_loop3A_433 = vector.broadcast %parallel_loop3A_432 : i32 to vector<16xi32>
        %parallel_loop3A_434 = arith.addi %parallel_loop3A_277, %parallel_loop3A_433 : vector<16xi32>
        %parallel_loop3A_435 = arith.constant 8.000000e+00 : f32
        %parallel_loop3A_436 = vector.broadcast %parallel_loop3A_435 : f32 to vector<16xf32>
        %parallel_loop3A_437 = arith.mulf %parallel_loop3A_431, %parallel_loop3A_436 : vector<16xf32>
        tpu.vector_store_idx %arg7[%parallel_loop3A_434], %parallel_loop3A_437 : memref<32768xf32, #tpu.memory_space<vmem>>[vector<16xi32>], vector<16xf32>,
        %parallel_loop3A_438 = arith.constant 80 : i32
        %parallel_loop3A_439 = arith.addi %mul3A_134, %parallel_loop3A_438 : i32
        %parallel_loop3A_440 = vector.broadcast %parallel_loop3A_439 : i32 to vector<16xi32>
        %parallel_loop3A_441 = arith.addi %parallel_loop3A_274, %parallel_loop3A_440 : vector<16xi32>
        %parallel_loop3A_442 = tpu.vector_load_idx %arg6[%parallel_loop3A_441, %add3A_8] : memref<512x64xf32, #tpu.memory_space<vmem>>[vector<16xi32>, vector<16xi32>], vector<16xf32>,
        %parallel_loop3A_443 = arith.constant 80 : i32
        %parallel_loop3A_444 = vector.broadcast %parallel_loop3A_443 : i32 to vector<16xi32>
        %parallel_loop3A_445 = arith.addi %parallel_loop3A_277, %parallel_loop3A_444 : vector<16xi32>
        %parallel_loop3A_446 = arith.constant 8.000000e+00 : f32
        %parallel_loop3A_447 = vector.broadcast %parallel_loop3A_446 : f32 to vector<16xf32>
        %parallel_loop3A_448 = arith.mulf %parallel_loop3A_442, %parallel_loop3A_447 : vector<16xf32>
        tpu.vector_store_idx %arg7[%parallel_loop3A_445], %parallel_loop3A_448 : memref<32768xf32, #tpu.memory_space<vmem>>[vector<16xi32>], vector<16xf32>,
        %parallel_loop3A_449 = tpu.vector_load_idx %arg6[%parallel_loop3A_441, %add3A_11] : memref<512x64xf32, #tpu.memory_space<vmem>>[vector<16xi32>, vector<16xi32>], vector<16xf32>,
        %parallel_loop3A_450 = arith.constant 2128 : i32
        %parallel_loop3A_451 = vector.broadcast %parallel_loop3A_450 : i32 to vector<16xi32>
        %parallel_loop3A_452 = arith.addi %parallel_loop3A_277, %parallel_loop3A_451 : vector<16xi32>
        %parallel_loop3A_453 = arith.constant 8.000000e+00 : f32
        %parallel_loop3A_454 = vector.broadcast %parallel_loop3A_453 : f32 to vector<16xf32>
        %parallel_loop3A_455 = arith.mulf %parallel_loop3A_449, %parallel_loop3A_454 : vector<16xf32>
        tpu.vector_store_idx %arg7[%parallel_loop3A_452], %parallel_loop3A_455 : memref<32768xf32, #tpu.memory_space<vmem>>[vector<16xi32>], vector<16xf32>,
        %parallel_loop3A_456 = tpu.vector_load_idx %arg6[%parallel_loop3A_441, %add3A_14] : memref<512x64xf32, #tpu.memory_space<vmem>>[vector<16xi32>, vector<16xi32>], vector<16xf32>,
        %parallel_loop3A_457 = arith.constant 4176 : i32
        %parallel_loop3A_458 = vector.broadcast %parallel_loop3A_457 : i32 to vector<16xi32>
        %parallel_loop3A_459 = arith.addi %parallel_loop3A_277, %parallel_loop3A_458 : vector<16xi32>
        %parallel_loop3A_460 = arith.constant 8.000000e+00 : f32
        %parallel_loop3A_461 = vector.broadcast %parallel_loop3A_460 : f32 to vector<16xf32>
        %parallel_loop3A_462 = arith.mulf %parallel_loop3A_456, %parallel_loop3A_461 : vector<16xf32>
        tpu.vector_store_idx %arg7[%parallel_loop3A_459], %parallel_loop3A_462 : memref<32768xf32, #tpu.memory_space<vmem>>[vector<16xi32>], vector<16xf32>,
        %parallel_loop3A_463 = tpu.vector_load_idx %arg6[%parallel_loop3A_441, %add3A_17] : memref<512x64xf32, #tpu.memory_space<vmem>>[vector<16xi32>, vector<16xi32>], vector<16xf32>,
        %parallel_loop3A_464 = arith.constant 6224 : i32
        %parallel_loop3A_465 = vector.broadcast %parallel_loop3A_464 : i32 to vector<16xi32>
        %parallel_loop3A_466 = arith.addi %parallel_loop3A_277, %parallel_loop3A_465 : vector<16xi32>
        %parallel_loop3A_467 = arith.constant 8.000000e+00 : f32
        %parallel_loop3A_468 = vector.broadcast %parallel_loop3A_467 : f32 to vector<16xf32>
        %parallel_loop3A_469 = arith.mulf %parallel_loop3A_463, %parallel_loop3A_468 : vector<16xf32>
        tpu.vector_store_idx %arg7[%parallel_loop3A_466], %parallel_loop3A_469 : memref<32768xf32, #tpu.memory_space<vmem>>[vector<16xi32>], vector<16xf32>,
        %parallel_loop3A_470 = arith.constant 96 : i32
        %parallel_loop3A_471 = arith.addi %mul3A_134, %parallel_loop3A_470 : i32
        %parallel_loop3A_472 = vector.broadcast %parallel_loop3A_471 : i32 to vector<16xi32>
        %parallel_loop3A_473 = arith.addi %parallel_loop3A_274, %parallel_loop3A_472 : vector<16xi32>
        %parallel_loop3A_474 = tpu.vector_load_idx %arg6[%parallel_loop3A_473, %add3A_8] : memref<512x64xf32, #tpu.memory_space<vmem>>[vector<16xi32>, vector<16xi32>], vector<16xf32>,
        %parallel_loop3A_475 = arith.constant 96 : i32
        %parallel_loop3A_476 = vector.broadcast %parallel_loop3A_475 : i32 to vector<16xi32>
        %parallel_loop3A_477 = arith.addi %parallel_loop3A_277, %parallel_loop3A_476 : vector<16xi32>
        %parallel_loop3A_478 = arith.constant 8.000000e+00 : f32
        %parallel_loop3A_479 = vector.broadcast %parallel_loop3A_478 : f32 to vector<16xf32>
        %parallel_loop3A_480 = arith.mulf %parallel_loop3A_474, %parallel_loop3A_479 : vector<16xf32>
        tpu.vector_store_idx %arg7[%parallel_loop3A_477], %parallel_loop3A_480 : memref<32768xf32, #tpu.memory_space<vmem>>[vector<16xi32>], vector<16xf32>,
        %parallel_loop3A_481 = tpu.vector_load_idx %arg6[%parallel_loop3A_473, %add3A_11] : memref<512x64xf32, #tpu.memory_space<vmem>>[vector<16xi32>, vector<16xi32>], vector<16xf32>,
        %parallel_loop3A_482 = arith.constant 2144 : i32
        %parallel_loop3A_483 = vector.broadcast %parallel_loop3A_482 : i32 to vector<16xi32>
        %parallel_loop3A_484 = arith.addi %parallel_loop3A_277, %parallel_loop3A_483 : vector<16xi32>
        %parallel_loop3A_485 = arith.constant 8.000000e+00 : f32
        %parallel_loop3A_486 = vector.broadcast %parallel_loop3A_485 : f32 to vector<16xf32>
        %parallel_loop3A_487 = arith.mulf %parallel_loop3A_481, %parallel_loop3A_486 : vector<16xf32>
        tpu.vector_store_idx %arg7[%parallel_loop3A_484], %parallel_loop3A_487 : memref<32768xf32, #tpu.memory_space<vmem>>[vector<16xi32>], vector<16xf32>,
        %parallel_loop3A_488 = tpu.vector_load_idx %arg6[%parallel_loop3A_473, %add3A_14] : memref<512x64xf32, #tpu.memory_space<vmem>>[vector<16xi32>, vector<16xi32>], vector<16xf32>,
        %parallel_loop3A_489 = arith.constant 4192 : i32
        %parallel_loop3A_490 = vector.broadcast %parallel_loop3A_489 : i32 to vector<16xi32>
        %parallel_loop3A_491 = arith.addi %parallel_loop3A_277, %parallel_loop3A_490 : vector<16xi32>
        %parallel_loop3A_492 = arith.constant 8.000000e+00 : f32
        %parallel_loop3A_493 = vector.broadcast %parallel_loop3A_492 : f32 to vector<16xf32>
        %parallel_loop3A_494 = arith.mulf %parallel_loop3A_488, %parallel_loop3A_493 : vector<16xf32>
        tpu.vector_store_idx %arg7[%parallel_loop3A_491], %parallel_loop3A_494 : memref<32768xf32, #tpu.memory_space<vmem>>[vector<16xi32>], vector<16xf32>,
        %parallel_loop3A_495 = tpu.vector_load_idx %arg6[%parallel_loop3A_473, %add3A_17] : memref<512x64xf32, #tpu.memory_space<vmem>>[vector<16xi32>, vector<16xi32>], vector<16xf32>,
        %parallel_loop3A_496 = arith.constant 6240 : i32
        %parallel_loop3A_497 = vector.broadcast %parallel_loop3A_496 : i32 to vector<16xi32>
        %parallel_loop3A_498 = arith.addi %parallel_loop3A_277, %parallel_loop3A_497 : vector<16xi32>
        %parallel_loop3A_499 = arith.constant 8.000000e+00 : f32
        %parallel_loop3A_500 = vector.broadcast %parallel_loop3A_499 : f32 to vector<16xf32>
        %parallel_loop3A_501 = arith.mulf %parallel_loop3A_495, %parallel_loop3A_500 : vector<16xf32>
        tpu.vector_store_idx %arg7[%parallel_loop3A_498], %parallel_loop3A_501 : memref<32768xf32, #tpu.memory_space<vmem>>[vector<16xi32>], vector<16xf32>,
        %parallel_loop3A_502 = arith.constant 112 : i32
        %parallel_loop3A_503 = arith.addi %mul3A_134, %parallel_loop3A_502 : i32
        %parallel_loop3A_504 = vector.broadcast %parallel_loop3A_503 : i32 to vector<16xi32>
        %parallel_loop3A_505 = arith.addi %parallel_loop3A_274, %parallel_loop3A_504 : vector<16xi32>
        %parallel_loop3A_506 = tpu.vector_load_idx %arg6[%parallel_loop3A_505, %add3A_8] : memref<512x64xf32, #tpu.memory_space<vmem>>[vector<16xi32>, vector<16xi32>], vector<16xf32>,
        %parallel_loop3A_507 = arith.constant 112 : i32
        %parallel_loop3A_508 = vector.broadcast %parallel_loop3A_507 : i32 to vector<16xi32>
        %parallel_loop3A_509 = arith.addi %parallel_loop3A_277, %parallel_loop3A_508 : vector<16xi32>
        %parallel_loop3A_510 = arith.constant 8.000000e+00 : f32
        %parallel_loop3A_511 = vector.broadcast %parallel_loop3A_510 : f32 to vector<16xf32>
        %parallel_loop3A_512 = arith.mulf %parallel_loop3A_506, %parallel_loop3A_511 : vector<16xf32>
        tpu.vector_store_idx %arg7[%parallel_loop3A_509], %parallel_loop3A_512 : memref<32768xf32, #tpu.memory_space<vmem>>[vector<16xi32>], vector<16xf32>,
        %parallel_loop3A_513 = tpu.vector_load_idx %arg6[%parallel_loop3A_505, %add3A_11] : memref<512x64xf32, #tpu.memory_space<vmem>>[vector<16xi32>, vector<16xi32>], vector<16xf32>,
        %parallel_loop3A_514 = arith.constant 2160 : i32
        %parallel_loop3A_515 = vector.broadcast %parallel_loop3A_514 : i32 to vector<16xi32>
        %parallel_loop3A_516 = arith.addi %parallel_loop3A_277, %parallel_loop3A_515 : vector<16xi32>
        %parallel_loop3A_517 = arith.constant 8.000000e+00 : f32
        %parallel_loop3A_518 = vector.broadcast %parallel_loop3A_517 : f32 to vector<16xf32>
        %parallel_loop3A_519 = arith.mulf %parallel_loop3A_513, %parallel_loop3A_518 : vector<16xf32>
        tpu.vector_store_idx %arg7[%parallel_loop3A_516], %parallel_loop3A_519 : memref<32768xf32, #tpu.memory_space<vmem>>[vector<16xi32>], vector<16xf32>,
        %parallel_loop3A_520 = tpu.vector_load_idx %arg6[%parallel_loop3A_505, %add3A_14] : memref<512x64xf32, #tpu.memory_space<vmem>>[vector<16xi32>, vector<16xi32>], vector<16xf32>,
        %parallel_loop3A_521 = arith.constant 4208 : i32
        %parallel_loop3A_522 = vector.broadcast %parallel_loop3A_521 : i32 to vector<16xi32>
        %parallel_loop3A_523 = arith.addi %parallel_loop3A_277, %parallel_loop3A_522 : vector<16xi32>
        %parallel_loop3A_524 = arith.constant 8.000000e+00 : f32
        %parallel_loop3A_525 = vector.broadcast %parallel_loop3A_524 : f32 to vector<16xf32>
        %parallel_loop3A_526 = arith.mulf %parallel_loop3A_520, %parallel_loop3A_525 : vector<16xf32>
        tpu.vector_store_idx %arg7[%parallel_loop3A_523], %parallel_loop3A_526 : memref<32768xf32, #tpu.memory_space<vmem>>[vector<16xi32>], vector<16xf32>,
        %parallel_loop3A_527 = tpu.vector_load_idx %arg6[%parallel_loop3A_505, %add3A_17] : memref<512x64xf32, #tpu.memory_space<vmem>>[vector<16xi32>, vector<16xi32>], vector<16xf32>,
        %parallel_loop3A_528 = arith.constant 6256 : i32
        %parallel_loop3A_529 = vector.broadcast %parallel_loop3A_528 : i32 to vector<16xi32>
        %parallel_loop3A_530 = arith.addi %parallel_loop3A_277, %parallel_loop3A_529 : vector<16xi32>
        %parallel_loop3A_531 = arith.constant 8.000000e+00 : f32
        %parallel_loop3A_532 = vector.broadcast %parallel_loop3A_531 : f32 to vector<16xf32>
        %parallel_loop3A_533 = arith.mulf %parallel_loop3A_527, %parallel_loop3A_532 : vector<16xf32>
        tpu.vector_store_idx %arg7[%parallel_loop3A_530], %parallel_loop3A_533 : memref<32768xf32, #tpu.memory_space<vmem>>[vector<16xi32>], vector<16xf32>,
      } {sc.loop_unroll_factor = 1 : i64, sc.parallel_access}
      %add3A_139 = arith.addi %mul3A_2, %scan3A_117 : i32
      %jit3A = arith.constant 32 : i32
      %div3A = arith.divsi %add3A_139, %jit3A : i32
      %sign3A = arith.constant 0 : i32
      %sign3A_140 = arith.cmpi sgt, %add3A_139, %sign3A : i32
      %sign3A_141 = arith.extui %sign3A_140 : i1 to i32
      %sign3A_142 = arith.constant 0 : i32
      %sign3A_143 = arith.cmpi slt, %add3A_139, %sign3A_142 : i32
      %sign3A_144 = arith.extui %sign3A_143 : i1 to i32
      %sign3A_145 = arith.subi %sign3A_141, %sign3A_144 : i32
      %sign3A_146 = arith.constant 0 : i32
      %sign3A_147 = arith.cmpi sgt, %jit3A, %sign3A_146 : i32
      %sign3A_148 = arith.extui %sign3A_147 : i1 to i32
      %sign3A_149 = arith.constant 0 : i32
      %sign3A_150 = arith.cmpi slt, %jit3A, %sign3A_149 : i32
      %sign3A_151 = arith.extui %sign3A_150 : i1 to i32
      %sign3A_152 = arith.subi %sign3A_148, %sign3A_151 : i32
      %ne3A = arith.cmpi ne, %sign3A_145, %sign3A_152 : i32
      %rem3A_153 = arith.remsi %add3A_139, %jit3A : i32
      %ne3A_154 = arith.constant 0 : i32
      %ne3A_155 = arith.cmpi ne, %rem3A_153, %ne3A_154 : i32
      %and3A = arith.andi %ne3A, %ne3A_155 : i1
      %sub3A = arith.constant 1 : i32
      %sub3A_156 = arith.subi %div3A, %sub3A : i32
      %select_n3A = arith.select %and3A, %sub3A_156, %div3A : i32
      %mul3A_157 = arith.constant 32 : i32
      %mul3A_158 = arith.muli %select_n3A, %mul3A_157 : i32
      %sub3A_159 = arith.subi %add3A_139, %mul3A_158 : i32
      %mul3A_160 = arith.constant 8 : i32
      %mul3A_161 = arith.muli %select_n3A, %mul3A_160 : i32
      %mul3A_162 = arith.constant 32 : i32
      %mul3A_163 = arith.muli %mul3A_161, %mul3A_162 : i32
      %add3A_164 = arith.addi %mul3A_163, %sub3A_159 : i32
      %mul3A_165 = arith.constant 1024 : i32
      %mul3A_166 = arith.muli %add3A_164, %mul3A_165 : i32
      %mul3A_167 = arith.constant 8192 : i32
      %mul3A_168 = arith.muli %rem3A_118, %mul3A_167 : i32
      %add3A_169 = arith.constant 0 : i32
      %add3A_170 = arith.addi %mul3A_168, %add3A_169 : i32
      %add3A_171 = arith.constant 0 : i32
      %add3A_172 = arith.addi %mul3A_166, %add3A_171 : i32
      %dma_start3A_173 = tpu.memref_slice %arg7[%add3A_170] : memref<32768xf32, #tpu.memory_space<vmem>> -> memref<1024xf32, #tpu.memory_space<vmem>>
      %dma_start3A_174 = tpu.memref_slice %arg4[%add3A_172] : memref<52428800xf32, #tpu.memory_space<hbm>> -> memref<1024xf32, #tpu.memory_space<hbm>>
      %dma_start3A_175 = tpu.memref_slice %arg9[%rem3A_118] : memref<4x!tpu.dma_semaphore, #tpu.memory_space<semaphore_mem>> -> memref<1x!tpu.dma_semaphore, #tpu.memory_space<semaphore_mem>>
      %dma_start3A_176 = tpu.memref_squeeze %dma_start3A_175 : memref<1x!tpu.dma_semaphore, #tpu.memory_space<semaphore_mem>> -> memref<!tpu.dma_semaphore, #tpu.memory_space<semaphore_mem>>
      %dma_start3A_177 = tpu.memref_slice %arg4[%add3A_172] : memref<52428800xf32, #tpu.memory_space<hbm>> -> memref<1024xf32, #tpu.memory_space<hbm>>
      %dma_start3A_178 = tpu.memref_slice %arg7[%add3A_170] : memref<32768xf32, #tpu.memory_space<vmem>> -> memref<1024xf32, #tpu.memory_space<vmem>>
      tpu.enqueue_dma source(%dma_start3A_178 : memref<1024xf32, #tpu.memory_space<vmem>>) target(%dma_start3A_177 : memref<1024xf32, #tpu.memory_space<hbm>>) target_semaphore(%dma_start3A_176 : memref<!tpu.dma_semaphore, #tpu.memory_space<semaphore_mem>>)
      %mul3A_179 = arith.constant 8192 : i32
      %mul3A_180 = arith.muli %rem3A_118, %mul3A_179 : i32
      %add3A_181 = arith.constant 1024 : i32
      %add3A_182 = arith.addi %mul3A_180, %add3A_181 : i32
      %add3A_183 = arith.constant 32768 : i32
      %add3A_184 = arith.addi %mul3A_166, %add3A_183 : i32
      %dma_start3A_185 = tpu.memref_slice %arg7[%add3A_182] : memref<32768xf32, #tpu.memory_space<vmem>> -> memref<1024xf32, #tpu.memory_space<vmem>>
      %dma_start3A_186 = tpu.memref_slice %arg4[%add3A_184] : memref<52428800xf32, #tpu.memory_space<hbm>> -> memref<1024xf32, #tpu.memory_space<hbm>>
      %dma_start3A_187 = tpu.memref_slice %arg9[%rem3A_118] : memref<4x!tpu.dma_semaphore, #tpu.memory_space<semaphore_mem>> -> memref<1x!tpu.dma_semaphore, #tpu.memory_space<semaphore_mem>>
      %dma_start3A_188 = tpu.memref_squeeze %dma_start3A_187 : memref<1x!tpu.dma_semaphore, #tpu.memory_space<semaphore_mem>> -> memref<!tpu.dma_semaphore, #tpu.memory_space<semaphore_mem>>
      %dma_start3A_189 = tpu.memref_slice %arg4[%add3A_184] : memref<52428800xf32, #tpu.memory_space<hbm>> -> memref<1024xf32, #tpu.memory_space<hbm>>
      %dma_start3A_190 = tpu.memref_slice %arg7[%add3A_182] : memref<32768xf32, #tpu.memory_space<vmem>> -> memref<1024xf32, #tpu.memory_space<vmem>>
      tpu.enqueue_dma source(%dma_start3A_190 : memref<1024xf32, #tpu.memory_space<vmem>>) target(%dma_start3A_189 : memref<1024xf32, #tpu.memory_space<hbm>>) target_semaphore(%dma_start3A_188 : memref<!tpu.dma_semaphore, #tpu.memory_space<semaphore_mem>>)
      %mul3A_191 = arith.constant 8192 : i32
      %mul3A_192 = arith.muli %rem3A_118, %mul3A_191 : i32
      %add3A_193 = arith.constant 2048 : i32
      %add3A_194 = arith.addi %mul3A_192, %add3A_193 : i32
      %add3A_195 = arith.constant 65536 : i32
      %add3A_196 = arith.addi %mul3A_166, %add3A_195 : i32
      %dma_start3A_197 = tpu.memref_slice %arg7[%add3A_194] : memref<32768xf32, #tpu.memory_space<vmem>> -> memref<1024xf32, #tpu.memory_space<vmem>>
      %dma_start3A_198 = tpu.memref_slice %arg4[%add3A_196] : memref<52428800xf32, #tpu.memory_space<hbm>> -> memref<1024xf32, #tpu.memory_space<hbm>>
      %dma_start3A_199 = tpu.memref_slice %arg9[%rem3A_118] : memref<4x!tpu.dma_semaphore, #tpu.memory_space<semaphore_mem>> -> memref<1x!tpu.dma_semaphore, #tpu.memory_space<semaphore_mem>>
      %dma_start3A_200 = tpu.memref_squeeze %dma_start3A_199 : memref<1x!tpu.dma_semaphore, #tpu.memory_space<semaphore_mem>> -> memref<!tpu.dma_semaphore, #tpu.memory_space<semaphore_mem>>
      %dma_start3A_201 = tpu.memref_slice %arg4[%add3A_196] : memref<52428800xf32, #tpu.memory_space<hbm>> -> memref<1024xf32, #tpu.memory_space<hbm>>
      %dma_start3A_202 = tpu.memref_slice %arg7[%add3A_194] : memref<32768xf32, #tpu.memory_space<vmem>> -> memref<1024xf32, #tpu.memory_space<vmem>>
      tpu.enqueue_dma source(%dma_start3A_202 : memref<1024xf32, #tpu.memory_space<vmem>>) target(%dma_start3A_201 : memref<1024xf32, #tpu.memory_space<hbm>>) target_semaphore(%dma_start3A_200 : memref<!tpu.dma_semaphore, #tpu.memory_space<semaphore_mem>>)
      %mul3A_203 = arith.constant 8192 : i32
      %mul3A_204 = arith.muli %rem3A_118, %mul3A_203 : i32
      %add3A_205 = arith.constant 3072 : i32
      %add3A_206 = arith.addi %mul3A_204, %add3A_205 : i32
      %add3A_207 = arith.constant 98304 : i32
      %add3A_208 = arith.addi %mul3A_166, %add3A_207 : i32
      %dma_start3A_209 = tpu.memref_slice %arg7[%add3A_206] : memref<32768xf32, #tpu.memory_space<vmem>> -> memref<1024xf32, #tpu.memory_space<vmem>>
      %dma_start3A_210 = tpu.memref_slice %arg4[%add3A_208] : memref<52428800xf32, #tpu.memory_space<hbm>> -> memref<1024xf32, #tpu.memory_space<hbm>>
      %dma_start3A_211 = tpu.memref_slice %arg9[%rem3A_118] : memref<4x!tpu.dma_semaphore, #tpu.memory_space<semaphore_mem>> -> memref<1x!tpu.dma_semaphore, #tpu.memory_space<semaphore_mem>>
      %dma_start3A_212 = tpu.memref_squeeze %dma_start3A_211 : memref<1x!tpu.dma_semaphore, #tpu.memory_space<semaphore_mem>> -> memref<!tpu.dma_semaphore, #tpu.memory_space<semaphore_mem>>
      %dma_start3A_213 = tpu.memref_slice %arg4[%add3A_208] : memref<52428800xf32, #tpu.memory_space<hbm>> -> memref<1024xf32, #tpu.memory_space<hbm>>
      %dma_start3A_214 = tpu.memref_slice %arg7[%add3A_206] : memref<32768xf32, #tpu.memory_space<vmem>> -> memref<1024xf32, #tpu.memory_space<vmem>>
      tpu.enqueue_dma source(%dma_start3A_214 : memref<1024xf32, #tpu.memory_space<vmem>>) target(%dma_start3A_213 : memref<1024xf32, #tpu.memory_space<hbm>>) target_semaphore(%dma_start3A_212 : memref<!tpu.dma_semaphore, #tpu.memory_space<semaphore_mem>>)
      %mul3A_215 = arith.constant 8192 : i32
      %mul3A_216 = arith.muli %rem3A_118, %mul3A_215 : i32
      %add3A_217 = arith.constant 4096 : i32
      %add3A_218 = arith.addi %mul3A_216, %add3A_217 : i32
      %add3A_219 = arith.constant 131072 : i32
      %add3A_220 = arith.addi %mul3A_166, %add3A_219 : i32
      %dma_start3A_221 = tpu.memref_slice %arg7[%add3A_218] : memref<32768xf32, #tpu.memory_space<vmem>> -> memref<1024xf32, #tpu.memory_space<vmem>>
      %dma_start3A_222 = tpu.memref_slice %arg4[%add3A_220] : memref<52428800xf32, #tpu.memory_space<hbm>> -> memref<1024xf32, #tpu.memory_space<hbm>>
      %dma_start3A_223 = tpu.memref_slice %arg9[%rem3A_118] : memref<4x!tpu.dma_semaphore, #tpu.memory_space<semaphore_mem>> -> memref<1x!tpu.dma_semaphore, #tpu.memory_space<semaphore_mem>>
      %dma_start3A_224 = tpu.memref_squeeze %dma_start3A_223 : memref<1x!tpu.dma_semaphore, #tpu.memory_space<semaphore_mem>> -> memref<!tpu.dma_semaphore, #tpu.memory_space<semaphore_mem>>
      %dma_start3A_225 = tpu.memref_slice %arg4[%add3A_220] : memref<52428800xf32, #tpu.memory_space<hbm>> -> memref<1024xf32, #tpu.memory_space<hbm>>
      %dma_start3A_226 = tpu.memref_slice %arg7[%add3A_218] : memref<32768xf32, #tpu.memory_space<vmem>> -> memref<1024xf32, #tpu.memory_space<vmem>>
      tpu.enqueue_dma source(%dma_start3A_226 : memref<1024xf32, #tpu.memory_space<vmem>>) target(%dma_start3A_225 : memref<1024xf32, #tpu.memory_space<hbm>>) target_semaphore(%dma_start3A_224 : memref<!tpu.dma_semaphore, #tpu.memory_space<semaphore_mem>>)
      %mul3A_227 = arith.constant 8192 : i32
      %mul3A_228 = arith.muli %rem3A_118, %mul3A_227 : i32
      %add3A_229 = arith.constant 5120 : i32
      %add3A_230 = arith.addi %mul3A_228, %add3A_229 : i32
      %add3A_231 = arith.constant 163840 : i32
      %add3A_232 = arith.addi %mul3A_166, %add3A_231 : i32
      %dma_start3A_233 = tpu.memref_slice %arg7[%add3A_230] : memref<32768xf32, #tpu.memory_space<vmem>> -> memref<1024xf32, #tpu.memory_space<vmem>>
      %dma_start3A_234 = tpu.memref_slice %arg4[%add3A_232] : memref<52428800xf32, #tpu.memory_space<hbm>> -> memref<1024xf32, #tpu.memory_space<hbm>>
      %dma_start3A_235 = tpu.memref_slice %arg9[%rem3A_118] : memref<4x!tpu.dma_semaphore, #tpu.memory_space<semaphore_mem>> -> memref<1x!tpu.dma_semaphore, #tpu.memory_space<semaphore_mem>>
      %dma_start3A_236 = tpu.memref_squeeze %dma_start3A_235 : memref<1x!tpu.dma_semaphore, #tpu.memory_space<semaphore_mem>> -> memref<!tpu.dma_semaphore, #tpu.memory_space<semaphore_mem>>
      %dma_start3A_237 = tpu.memref_slice %arg4[%add3A_232] : memref<52428800xf32, #tpu.memory_space<hbm>> -> memref<1024xf32, #tpu.memory_space<hbm>>
      %dma_start3A_238 = tpu.memref_slice %arg7[%add3A_230] : memref<32768xf32, #tpu.memory_space<vmem>> -> memref<1024xf32, #tpu.memory_space<vmem>>
      tpu.enqueue_dma source(%dma_start3A_238 : memref<1024xf32, #tpu.memory_space<vmem>>) target(%dma_start3A_237 : memref<1024xf32, #tpu.memory_space<hbm>>) target_semaphore(%dma_start3A_236 : memref<!tpu.dma_semaphore, #tpu.memory_space<semaphore_mem>>)
      %mul3A_239 = arith.constant 8192 : i32
      %mul3A_240 = arith.muli %rem3A_118, %mul3A_239 : i32
      %add3A_241 = arith.constant 6144 : i32
      %add3A_242 = arith.addi %mul3A_240, %add3A_241 : i32
      %add3A_243 = arith.constant 196608 : i32
      %add3A_244 = arith.addi %mul3A_166, %add3A_243 : i32
      %dma_start3A_245 = tpu.memref_slice %arg7[%add3A_242] : memref<32768xf32, #tpu.memory_space<vmem>> -> memref<1024xf32, #tpu.memory_space<vmem>>
      %dma_start3A_246 = tpu.memref_slice %arg4[%add3A_244] : memref<52428800xf32, #tpu.memory_space<hbm>> -> memref<1024xf32, #tpu.memory_space<hbm>>
      %dma_start3A_247 = tpu.memref_slice %arg9[%rem3A_118] : memref<4x!tpu.dma_semaphore, #tpu.memory_space<semaphore_mem>> -> memref<1x!tpu.dma_semaphore, #tpu.memory_space<semaphore_mem>>
      %dma_start3A_248 = tpu.memref_squeeze %dma_start3A_247 : memref<1x!tpu.dma_semaphore, #tpu.memory_space<semaphore_mem>> -> memref<!tpu.dma_semaphore, #tpu.memory_space<semaphore_mem>>
      %dma_start3A_249 = tpu.memref_slice %arg4[%add3A_244] : memref<52428800xf32, #tpu.memory_space<hbm>> -> memref<1024xf32, #tpu.memory_space<hbm>>
      %dma_start3A_250 = tpu.memref_slice %arg7[%add3A_242] : memref<32768xf32, #tpu.memory_space<vmem>> -> memref<1024xf32, #tpu.memory_space<vmem>>
      tpu.enqueue_dma source(%dma_start3A_250 : memref<1024xf32, #tpu.memory_space<vmem>>) target(%dma_start3A_249 : memref<1024xf32, #tpu.memory_space<hbm>>) target_semaphore(%dma_start3A_248 : memref<!tpu.dma_semaphore, #tpu.memory_space<semaphore_mem>>)
      %mul3A_251 = arith.constant 8192 : i32
      %mul3A_252 = arith.muli %rem3A_118, %mul3A_251 : i32
      %add3A_253 = arith.constant 7168 : i32
      %add3A_254 = arith.addi %mul3A_252, %add3A_253 : i32
      %add3A_255 = arith.constant 229376 : i32
      %add3A_256 = arith.addi %mul3A_166, %add3A_255 : i32
      %dma_start3A_257 = tpu.memref_slice %arg7[%add3A_254] : memref<32768xf32, #tpu.memory_space<vmem>> -> memref<1024xf32, #tpu.memory_space<vmem>>
      %dma_start3A_258 = tpu.memref_slice %arg4[%add3A_256] : memref<52428800xf32, #tpu.memory_space<hbm>> -> memref<1024xf32, #tpu.memory_space<hbm>>
      %dma_start3A_259 = tpu.memref_slice %arg9[%rem3A_118] : memref<4x!tpu.dma_semaphore, #tpu.memory_space<semaphore_mem>> -> memref<1x!tpu.dma_semaphore, #tpu.memory_space<semaphore_mem>>
      %dma_start3A_260 = tpu.memref_squeeze %dma_start3A_259 : memref<1x!tpu.dma_semaphore, #tpu.memory_space<semaphore_mem>> -> memref<!tpu.dma_semaphore, #tpu.memory_space<semaphore_mem>>
      %dma_start3A_261 = tpu.memref_slice %arg4[%add3A_256] : memref<52428800xf32, #tpu.memory_space<hbm>> -> memref<1024xf32, #tpu.memory_space<hbm>>
      %dma_start3A_262 = tpu.memref_slice %arg7[%add3A_254] : memref<32768xf32, #tpu.memory_space<vmem>> -> memref<1024xf32, #tpu.memory_space<vmem>>
      tpu.enqueue_dma source(%dma_start3A_262 : memref<1024xf32, #tpu.memory_space<vmem>>) target(%dma_start3A_261 : memref<1024xf32, #tpu.memory_space<hbm>>) target_semaphore(%dma_start3A_260 : memref<!tpu.dma_semaphore, #tpu.memory_space<semaphore_mem>>)
      %add3A_263 = arith.constant 4 : i32
      %add3A_264 = arith.addi %scan3A_117, %add3A_263 : i32
      %lt3A = arith.constant 200 : i32
      %lt3A_265 = arith.cmpi slt, %add3A_264, %lt3A : i32
      %convert_element_type3A_266 = arith.extui %lt3A_265 : i1 to i32
      %cond3A_267 = arith.constant 0 : i32
      %cond3A_268 = arith.cmpi ne, %convert_element_type3A_266, %cond3A_267 : i32
      scf.if %cond3A_268 {
        %add3A_269 = arith.constant 4 : i32
        %add3A_270 = arith.addi %scan3A_117, %add3A_269 : i32
        %mul3A_271 = arith.constant 128 : i32
        %mul3A_272 = arith.muli %rem3A_118, %mul3A_271 : i32
        %dma_start3A_273 = arith.constant 0 : i32
        %dma_start3A_274 = tpu.memref_slice %arg6[%mul3A_272, %dma_start3A_273] : memref<512x64xf32, #tpu.memory_space<vmem>> -> memref<128x64xf32, #tpu.memory_space<vmem>>
        %dma_start3A_275 = arith.constant 0 : i32
        %dma_start3A_276 = tpu.memref_slice %arg5[%add3A_270, %dma_start3A_275] : memref<200x128xi32, #tpu.memory_space<vmem>> -> memref<1x128xi32, #tpu.memory_space<vmem>>
        %dma_start3A_277 = tpu.memref_squeeze %dma_start3A_276 : memref<1x128xi32, #tpu.memory_space<vmem>> -> memref<128xi32, #tpu.memory_space<vmem>>
        %dma_start3A_278 = arith.constant 0 : i32
        %dma_start3A_279 = arith.constant 0 : i32
        %dma_start3A_280 = tpu.memref_slice %arg3[%dma_start3A_278, %dma_start3A_279] : memref<1000000x64xf32, #tpu.memory_space<hbm>> -> memref<1000000x64xf32, #tpu.memory_space<hbm>>
        %dma_start3A_281 = tpu.memref_slice %arg8[%rem3A_118] : memref<4x!tpu.dma_semaphore, #tpu.memory_space<semaphore_mem>> -> memref<1x!tpu.dma_semaphore, #tpu.memory_space<semaphore_mem>>
        %dma_start3A_282 = tpu.memref_squeeze %dma_start3A_281 : memref<1x!tpu.dma_semaphore, #tpu.memory_space<semaphore_mem>> -> memref<!tpu.dma_semaphore, #tpu.memory_space<semaphore_mem>>
        tpu.enqueue_indirect_dma source(%dma_start3A_280 : memref<1000000x64xf32, #tpu.memory_space<hbm>>) target(%dma_start3A_274 : memref<128x64xf32, #tpu.memory_space<vmem>>) offsets(%dma_start3A_277 : memref<128xi32, #tpu.memory_space<vmem>>) semaphore(%dma_start3A_282 : memref<!tpu.dma_semaphore, #tpu.memory_space<semaphore_mem>>)
      } else {
      }
    }
    %scan3A_73 = arith.constant 200 : i32
    %dma_wait3A = arith.constant 0 : i32
    %dma_wait3A_74 = arith.constant 0 : i32
    %dma_wait3A_75 = tpu.memref_slice %arg7[%dma_wait3A_74] : memref<32768xf32, #tpu.memory_space<vmem>> -> memref<8192xf32, #tpu.memory_space<vmem>>
    %dma_wait3A_76 = arith.constant 0 : i32
    %dma_wait3A_77 = tpu.memref_slice %arg4[%dma_wait3A_76] : memref<52428800xf32, #tpu.memory_space<hbm>> -> memref<8192xf32, #tpu.memory_space<hbm>>
    %dma_wait3A_78 = tpu.memref_slice %arg9[%dma_wait3A] : memref<4x!tpu.dma_semaphore, #tpu.memory_space<semaphore_mem>> -> memref<1x!tpu.dma_semaphore, #tpu.memory_space<semaphore_mem>>
    %dma_wait3A_79 = tpu.memref_squeeze %dma_wait3A_78 : memref<1x!tpu.dma_semaphore, #tpu.memory_space<semaphore_mem>> -> memref<!tpu.dma_semaphore, #tpu.memory_space<semaphore_mem>>
    %dma_wait3A_80 = arith.constant 0 : i32
    %dma_wait3A_81 = tpu.memref_slice %arg4[%dma_wait3A_80] : memref<52428800xf32, #tpu.memory_space<hbm>> -> memref<8192xf32, #tpu.memory_space<hbm>>
    %dma_wait3A_82 = arith.constant 0 : i32
    %dma_wait3A_83 = tpu.memref_slice %arg7[%dma_wait3A_82] : memref<32768xf32, #tpu.memory_space<vmem>> -> memref<8192xf32, #tpu.memory_space<vmem>>
    tpu.wait_dma2 semaphore(%dma_wait3A_79 : memref<!tpu.dma_semaphore, #tpu.memory_space<semaphore_mem>>) src(%dma_wait3A_83 : memref<8192xf32, #tpu.memory_space<vmem>>) dst(%dma_wait3A_81 : memref<8192xf32, #tpu.memory_space<hbm>>)
    %dma_wait3A_84 = arith.constant 1 : i32
    %dma_wait3A_85 = arith.constant 8192 : i32
    %dma_wait3A_86 = tpu.memref_slice %arg7[%dma_wait3A_85] : memref<32768xf32, #tpu.memory_space<vmem>> -> memref<8192xf32, #tpu.memory_space<vmem>>
    %dma_wait3A_87 = arith.constant 0 : i32
    %dma_wait3A_88 = tpu.memref_slice %arg4[%dma_wait3A_87] : memref<52428800xf32, #tpu.memory_space<hbm>> -> memref<8192xf32, #tpu.memory_space<hbm>>
    %dma_wait3A_89 = tpu.memref_slice %arg9[%dma_wait3A_84] : memref<4x!tpu.dma_semaphore, #tpu.memory_space<semaphore_mem>> -> memref<1x!tpu.dma_semaphore, #tpu.memory_space<semaphore_mem>>
    %dma_wait3A_90 = tpu.memref_squeeze %dma_wait3A_89 : memref<1x!tpu.dma_semaphore, #tpu.memory_space<semaphore_mem>> -> memref<!tpu.dma_semaphore, #tpu.memory_space<semaphore_mem>>
    %dma_wait3A_91 = arith.constant 0 : i32
    %dma_wait3A_92 = tpu.memref_slice %arg4[%dma_wait3A_91] : memref<52428800xf32, #tpu.memory_space<hbm>> -> memref<8192xf32, #tpu.memory_space<hbm>>
    %dma_wait3A_93 = arith.constant 8192 : i32
    %dma_wait3A_94 = tpu.memref_slice %arg7[%dma_wait3A_93] : memref<32768xf32, #tpu.memory_space<vmem>> -> memref<8192xf32, #tpu.memory_space<vmem>>
    tpu.wait_dma2 semaphore(%dma_wait3A_90 : memref<!tpu.dma_semaphore, #tpu.memory_space<semaphore_mem>>) src(%dma_wait3A_94 : memref<8192xf32, #tpu.memory_space<vmem>>) dst(%dma_wait3A_92 : memref<8192xf32, #tpu.memory_space<hbm>>)
    %dma_wait3A_95 = arith.constant 2 : i32
    %dma_wait3A_96 = arith.constant 16384 : i32
    %dma_wait3A_97 = tpu.memref_slice %arg7[%dma_wait3A_96] : memref<32768xf32, #tpu.memory_space<vmem>> -> memref<8192xf32, #tpu.memory_space<vmem>>
    %dma_wait3A_98 = arith.constant 0 : i32
    %dma_wait3A_99 = tpu.memref_slice %arg4[%dma_wait3A_98] : memref<52428800xf32, #tpu.memory_space<hbm>> -> memref<8192xf32, #tpu.memory_space<hbm>>
    %dma_wait3A_100 = tpu.memref_slice %arg9[%dma_wait3A_95] : memref<4x!tpu.dma_semaphore, #tpu.memory_space<semaphore_mem>> -> memref<1x!tpu.dma_semaphore, #tpu.memory_space<semaphore_mem>>
    %dma_wait3A_101 = tpu.memref_squeeze %dma_wait3A_100 : memref<1x!tpu.dma_semaphore, #tpu.memory_space<semaphore_mem>> -> memref<!tpu.dma_semaphore, #tpu.memory_space<semaphore_mem>>
    %dma_wait3A_102 = arith.constant 0 : i32
    %dma_wait3A_103 = tpu.memref_slice %arg4[%dma_wait3A_102] : memref<52428800xf32, #tpu.memory_space<hbm>> -> memref<8192xf32, #tpu.memory_space<hbm>>
    %dma_wait3A_104 = arith.constant 16384 : i32
    %dma_wait3A_105 = tpu.memref_slice %arg7[%dma_wait3A_104] : memref<32768xf32, #tpu.memory_space<vmem>> -> memref<8192xf32, #tpu.memory_space<vmem>>
    tpu.wait_dma2 semaphore(%dma_wait3A_101 : memref<!tpu.dma_semaphore, #tpu.memory_space<semaphore_mem>>) src(%dma_wait3A_105 : memref<8192xf32, #tpu.memory_space<vmem>>) dst(%dma_wait3A_103 : memref<8192xf32, #tpu.memory_space<hbm>>)
    %dma_wait3A_106 = arith.constant 3 : i32
    %dma_wait3A_107 = arith.constant 24576 : i32
    %dma_wait3A_108 = tpu.memref_slice %arg7[%dma_wait3A_107] : memref<32768xf32, #tpu.memory_space<vmem>> -> memref<8192xf32, #tpu.memory_space<vmem>>
    %dma_wait3A_109 = arith.constant 0 : i32
    %dma_wait3A_110 = tpu.memref_slice %arg4[%dma_wait3A_109] : memref<52428800xf32, #tpu.memory_space<hbm>> -> memref<8192xf32, #tpu.memory_space<hbm>>
    %dma_wait3A_111 = tpu.memref_slice %arg9[%dma_wait3A_106] : memref<4x!tpu.dma_semaphore, #tpu.memory_space<semaphore_mem>> -> memref<1x!tpu.dma_semaphore, #tpu.memory_space<semaphore_mem>>
    %dma_wait3A_112 = tpu.memref_squeeze %dma_wait3A_111 : memref<1x!tpu.dma_semaphore, #tpu.memory_space<semaphore_mem>> -> memref<!tpu.dma_semaphore, #tpu.memory_space<semaphore_mem>>
    %dma_wait3A_113 = arith.constant 0 : i32
    %dma_wait3A_114 = tpu.memref_slice %arg4[%dma_wait3A_113] : memref<52428800xf32, #tpu.memory_space<hbm>> -> memref<8192xf32, #tpu.memory_space<hbm>>
    %dma_wait3A_115 = arith.constant 24576 : i32
    %dma_wait3A_116 = tpu.memref_slice %arg7[%dma_wait3A_115] : memref<32768xf32, #tpu.memory_space<vmem>> -> memref<8192xf32, #tpu.memory_space<vmem>>
    tpu.wait_dma2 semaphore(%dma_wait3A_112 : memref<!tpu.dma_semaphore, #tpu.memory_space<semaphore_mem>>) src(%dma_wait3A_116 : memref<8192xf32, #tpu.memory_space<vmem>>) dst(%dma_wait3A_114 : memref<8192xf32, #tpu.memory_space<hbm>>)
    return
  }
}

</mosaic_0001>

<sc_bundles>
// kernel: kernel.3.cloned.1.call-start
scs
__scs_entry_jumppad:
0x0: {  	(pc) =	sbr.rel $0x88, $3  }
0x1: {  	(tag) =	ssettag $0x0;
	lr =	simm.s32 $0x1  }
0x2: {  	[smem:$0x3F9F] =	sst lr;
	_ =	strace $0xD0000000  }
0x3: {  	_ = 	snop  }
0x4: {  	_ = 	snop  }
0x5: {  	_ = 	snop  }
0x6: {  	_ = 	snop  }
0x7: {  	_ = 	snop  }
__scs_overlays_trampoline_lowered:
0x8: {  	[smem:$0x3FAE] =	sst s0  }
0x9: {  	[smem:$0x3FAF] =	sst s1  }
0xa: {  	[smem:$0x3FB0] =	sst s2  }
0xb: {  	[smem:$0x3FB1] =	sst s3  }
0xc: {  	[smem:$0x3FB2] =	sst s4  }
0xd: {  	[smem:$0x3FB3] =	sst s5  }
0xe: {  	[smem:$0x3FB4] =	sst s6  }
0xf: {  	[smem:$0x3FB5] =	sst s7  }
0x10: {  	[smem:$0x3FB6] =	sst s8  }
0x11: {  	[smem:$0x3FB7] =	sst s9;
	s0 =	simm.s32 @!p0 $0x0  }
0x12: {  	s1 =	sld [smem:$0x3F9D];
	s0 =	simm.s32 @p0 $0x1  }
0x13: {  	[smem:$0x3FB8] =	sst s0;
	s0 =	simm.s32 @!p1 $0x0  }
0x14: {  	s2 =	sld [smem:$0x3F9C];
	s0 =	simm.s32 @p1 $0x1  }
0x15: {  	[smem:$0x3FB9] =	sst s0;
	s0 =	simm.s32 @!p2 $0x0  }
0x16: {  	s3 =	sld [smem:$0x3FDB];
	s0 =	simm.s32 @p2 $0x1  }
0x17: {  	s4 =	simm.s32 $0x1BF5;
	[smem:$0x3FBB] =	sst s0  }
0x18: {  	s0 =	sld [smem:$0x3F9E];
	_ =	swait.ge [sflag:s4], $0x0  }
0x19: {  	s7 =	sld [smem:$0x3F9F]  }
0x1a: {  	s8 =	sadd.s32 $0xFFFFE003, lr  }
0x1b: {  	s9 =	sadd.s32 $0xFFFFFEF7, lr;
	s5 =	simm.s32 $0xFFFFFFFF;
	p2 =	slt.u32 s8, $0xFFFFF086  }
0x1c: {  	p1 =	slt.u32 s9, $0xF7A;
	s5 =	simm.s32 @!p2 $0x0  }
0x1d: {  	s5 =	simm.s32 @p1 $0x1;
	p0 =	seq.s32 s7, s2  }
0x1e: {  	s7 =	smul.u32 @!p0 $0xF7A, s2;
	p2 =	seq.s32 @!p0 s5, $0x0  }
0x1f: {  	s9 =	smul.u32 $0xF7A, s1;
	s8 =	simm.s32 @!p0 $0x1BF5;
	p2 =	por !p2, p0  }
0x20: {  	[sflag:s8] =	ssyncset.s32 @!p0 $0xFFFFF086;
	s6 =	sadd.s32 @!p0 s3, s7;
	s7 =	simm.s32 @!p0 $0x108  }
0x21: {  	s3 =	sadd.s32 s3, s9;
	s6 =	sadd.s32 @!p0 $0x88, s6;
	s7 =	simm.s32 @p2 $0x1082  }
0x22: {  	[simem:s7], [sflag:s8] =	dma.local @!p0 [hbm:s6], $0xF7A  }
0x23: {  	s9 =	sor.u32 $0xD0000000, s2;
	s6 =	simm.s32 $0x108;
	_ =	swait.ge @!p0 [sflag:s8], $0x0  }
0x24: {  	s3 =	sadd.s32 $0x88, s3;
	s6 =	simm.s32 @!p1 $0x1082;
	[sflag:s4] =	ssyncset.s32 $0xFFFFF086  }
0x25: {  	[simem:s6], [sflag:s4] =	dma.local [hbm:s3], $0xF7A  }
0x26: {  	[smem:$0x3F9F] =	sst s1;
	(tag) =	ssettag s2;
	_ =	strace s9  }
0x27: {  	s1 =	sld [smem:$0x3FAF]  }
0x28: {  	s2 =	sld [smem:$0x3FB0]  }
0x29: {  	s4 =	sld [smem:$0x3FB2]  }
0x2a: {  	p0 =	seq.s32 s5, $0x0;
	s5 =	sld [smem:$0x3FB3]  }
0x2b: {  	s6 =	sld [smem:$0x3FB4]  }
0x2c: {  	s7 =	sld [smem:$0x3FB5]  }
0x2d: {  	s3 =	simm.s32 $0x108;
	s8 =	sld [smem:$0x3FB6]  }
0x2e: {  	s3 =	simm.s32 @!p0 $0x1082;
	s9 =	sld [smem:$0x3FB7]  }
0x2f: {  	lr =	sadd.s32 s0, s3;
	s0 =	sld [smem:$0x3FAE]  }
0x30: {  	s3 =	sld [smem:$0x3FB1]  }
0x31: {  	[smem:$0x3FBA] =	sst s10  }
0x32: {  	s10 =	sld [smem:$0x3FB8];
	_ =	sdelay $0x3  }
0x33: {  	p0 =	seq.s32 s10, $0x1;
	s10 =	sld [smem:$0x3FBA];
	_ =	sdelay $0x3  }
0x34: {  	[smem:$0x3FBA] =	sst s10  }
0x35: {  	s10 =	sld [smem:$0x3FB9];
	_ =	sdelay $0x3  }
0x36: {  	p1 =	seq.s32 s10, $0x1;
	s10 =	sld [smem:$0x3FBA];
	_ =	sdelay $0x3  }
0x37: {  	[smem:$0x3FBA] =	sst s10  }
0x38: {  	s10 =	sld [smem:$0x3FBB]  }
0x39: {  	_ = 	snop;
	(pc) =	sbr.ind lr, $3  }
0x3a: {  	_ = 	snop  }
0x3b: {  	_ = 	snop  }
0x3c: {  	p2 =	seq.s32 s10, $0x1;
	s10 =	sld [smem:$0x3FBA]  }
0x3d: {  	_ =	shalt  }
0x3e: {  	_ =	shalt  }
0x3f: {  	_ =	shalt  }
0x40: {  	_ =	shalt  }
0x41: {  	_ =	shalt  }
0x42: {  	_ =	shalt  }
0x43: {  	_ =	shalt  }
0x44: {  	_ =	shalt  }
0x45: {  	_ =	shalt  }
0x46: {  	_ =	shalt  }
0x47: {  	_ =	shalt  }
0x48: {  	_ =	shalt  }
0x49: {  	_ =	shalt  }
0x4a: {  	_ =	shalt  }
0x4b: {  	_ =	shalt  }
0x4c: {  	_ =	shalt  }
0x4d: {  	_ =	shalt  }
0x4e: {  	_ =	shalt  }
0x4f: {  	_ =	shalt  }
0x50: {  	_ =	shalt  }
0x51: {  	_ =	shalt  }
0x52: {  	_ =	shalt  }
0x53: {  	_ =	shalt  }
0x54: {  	_ =	shalt  }
0x55: {  	_ =	shalt  }
0x56: {  	_ =	shalt  }
0x57: {  	_ =	shalt  }
0x58: {  	_ =	shalt  }
0x59: {  	_ =	shalt  }
0x5a: {  	_ =	shalt  }
0x5b: {  	_ =	shalt  }
0x5c: {  	_ =	shalt  }
0x5d: {  	_ =	shalt  }
0x5e: {  	_ =	shalt  }
0x5f: {  	_ =	shalt  }
0x60: {  	_ =	shalt  }
0x61: {  	_ =	shalt  }
0x62: {  	_ =	shalt  }
0x63: {  	_ =	shalt  }
0x64: {  	_ =	shalt  }
0x65: {  	_ =	shalt  }
0x66: {  	_ =	shalt  }
0x67: {  	_ =	shalt  }
0x68: {  	_ =	shalt  }
0x69: {  	_ =	shalt  }
0x6a: {  	_ =	shalt  }
0x6b: {  	_ =	shalt  }
0x6c: {  	_ =	shalt  }
0x6d: {  	_ =	shalt  }
0x6e: {  	_ =	shalt  }
0x6f: {  	_ =	shalt  }
0x70: {  	_ =	shalt  }
0x71: {  	_ =	shalt  }
0x72: {  	_ =	shalt  }
0x73: {  	_ =	shalt  }
0x74: {  	_ =	shalt  }
0x75: {  	_ =	shalt  }
0x76: {  	_ =	shalt  }
0x77: {  	_ =	shalt  }
0x78: {  	_ =	shalt  }
0x79: {  	_ =	shalt  }
0x7a: {  	_ =	shalt  }
0x7b: {  	_ =	shalt  }
0x7c: {  	_ =	shalt  }
0x7d: {  	_ =	shalt  }
0x7e: {  	_ =	shalt  }
0x7f: {  	_ =	shalt  }
0x80: {  	_ =	shalt  }
0x81: {  	_ =	shalt  }
0x82: {  	_ =	shalt  }
0x83: {  	_ =	shalt  }
0x84: {  	_ =	shalt  }
0x85: {  	_ =	shalt  }
0x86: {  	_ =	shalt  }
0x87: {  	_ =	shalt  }
.Lfunc_end0:
.L_simem_size_0:
called_computation_lowered:
.L_overlay_start_0:
0x88: {  	s2 =	sld [smem:$0x3FD9]  }
0x89: {  	s3 =	sld [smem:$0x3FFE];
	_ =	sdelay $0x1  }
0x8a: {  	s1 =	srdreg.scid  }
0x8b: {  	s0 =	sand.u32 $0x1, s1  }
0x8c: {  	s17 =	sshll.u32 s0, $0xA;
	s2 =	sadd.s32 s3, s2  }
0x8d: {  	s2 =	sadd.s32 s2, s17  }
0x8e: {  	[smem:$0x3FC6] =	sst s2  }
0x8f: {  	_ = 	snop  }
0x90: {  	s2 =	sld [smem:$0x3FD0];
	(tm) =	ssettm $0x1  }
0x91: {  	s18 =	sld [smem:$0x3FFB];
	_ =	sdelay $0x3  }
0x92: {  	_ =	strace s18  }
0x93: {  	s3 =	sld [smem:$0x3FFC];
	_ =	sdelay $0x3  }
0x94: {  	_ =	strace s3  }
0x95: {  	s3 =	sld [smem:$0x3FFD];
	_ =	sdelay $0x3  }
0x96: {  	_ =	strace s3  }
0x97: {  	_ =	strace $0x8FFFFFFF  }
0x98: {  	s19 =	sld [smem:$0x3FDB];
	_ =	sdelay $0x1  }
0x99: {  	s4 =	simm.s32 $_scs_section_size  }
0x9a: {  	s5 =	simm.s32 $_size__tile_overlayer_lowered;
	s6 =	simm.s32 $_tile_overlayer_lowered  }
0x9b: {  	s22 =	simm.s32 $0x1BFF;
	s21 =	sshll.u32 s6, $0x1;
	s3 =	sadd.s32 s4, s19  }
0x9c: {  	s7 =	simm.s32 $0x0;
	s20 =	sshll.u32 s5, $0x1;
	s5 =	sadd.s32 s21, s3  }
0x9d: {  	[timem:s7], [sflag:s22] =	dma.local [hbm:s5], s20  }
0x9e: {  	_ =	swait.ge [sflag:s22], s20  }
0x9f: {  	s4 =	ssub.s32 $0x0, s20;
	[sflag:s22] =	ssyncset.done $0x0  }
0xa0: {  	[sflag:s22] =	ssyncadd.s32 s4;
	_ =	sdelay $0x1  }
0xa1: {  	s23 =	simm.s32 $0x1B8B  }
0xa2: {  	_ =	swait.ge [sflag:s23], $0x1  }
0xa3: {  	[sflag:s23] =	ssyncset.done $0x0  }
0xa4: {  	s25 =	simm.s32 $0x1B8E;
	s24 =	sld [smem:$0x3FFE];
	[sflag:s23] =	ssyncadd.s32 $0xFFFFFFFF  }
0xa5: {  	s26 =	simm.s32 $execute0_lowered;
	[smem:$0x3FD2] =	sst s25  }
0xa6: {  	s5 =	sshll.u32 s26, $0x1;
	_ =	strace $0x80000046;
	[dreg:$0x1] =	wrdreg $0xFFFFFFFF  }
0xa7: {  	s28 =	simm.s32 $_size_execute0_lowered;
	s3 =	sadd.s32 s3, s5;
	[dreg:$0x0] =	wrdreg $0x0  }
0xa8: {  	s5 =	sshll.u32 s28, $0x1;
	[dreg:$0x2] =	wrdreg s3  }
0xa9: {  	[dreg:$0x3] =	wrdreg s5  }
0xaa: {  	[dreg:$0x4] =	wrdreg $0xC0  }
0xab: {  	_ =	task [dreg:s7], $0x5FFFF  }
0xac: {  	[dreg:$0x1] =	wrdreg $0xFFFFFFFF  }
0xad: {  	[dreg:$0x0] =	wrdreg $0x60  }
0xae: {  	[dreg:$0x2] =	wrdreg s24  }
0xaf: {  	[dreg:$0x3] =	wrdreg s2  }
0xb0: {  	[dreg:$0x4] =	wrdreg $0x9  }
0xb1: {  	_ =	task.clear_ibuf [dreg:s7], $0x5FFFF;
	_ =	strace $0x90000046  }
0xb2: {  	s29 =	simm.s32 $0x9;
	_ =	strace $0x80000048  }
0xb3: {  	_ =	swait.ge [sflag:s29], $0x1  }
0xb4: {  	[sflag:s29] =	ssyncadd.s32 $0xFFFFFFFF  }
0xb5: {  	_ =	strace $0x90000048  }
0xb6: {  	_ =	sfence  }
0xb7: {  	s30 =	sld [smem:$0x0];
	_ =	sdelay $0x2  }
0xb8: {  	s31 =	sshll.u32 s1, $0xD;
	s1 =	sshrl.u32 s1, $0x2  }
0xb9: {  	s3 =	sand.u32 $0x4000, s31;
	s1 =	sadd.s32 s1, s30  }
0xba: {  	s0 =	sor.u32 s3, s0;
	s1 =	sshll.u32 s1, $0x11  }
0xbb: {  	s0 =	sor.u32 s1, s0  }
0xbc: {  	s0 =	sadd.s32 $0x8F2B, s0  }
0xbd: {  	[sflag:s0] =	ssyncadd.remote.s32 $0x1  }
0xbe: {  	_ =	sfence.sel $0xFFFF  }
0xbf: {  	[dreg:$0x0] =	wrdreg $0xFFFFFFFF;
	(pc) =	sbr.abs _section_cstart, $3  }
0xc0: {  	[dreg:$0x1] =	wrdreg $0xFFFFFFFF  }
0xc1: {  	_ =	task.clear_ibuf [dreg:s7], $0x2FFFF;
	_ =	strace $0x9FFFFFFF  }
0xc2: {  	(tm) =	ssettm $0x7FFFFFFF  }
0xc3: {  	_ =	shalt  }
tec
execute0_lowered:
.L_overlay_start_1:
0x0: {  	(tag) =	ssettag $0x1  }
0x1: {  	s4 =	rddreg [dreg:$0x0];
	s1 =	srdreg.scid  }
0x2: {  	s0 =	stileid.u32;
	s2 =	rddreg [dreg:$0x1]  }
0x3: {  	s3 =	simm.s32 $0x0;
	s9 =	simm.s32 $0x80;
	s10 =	simm.s32 $0x6400  }
0x4: {  	s11 =	simm.s32 $0x8400;
	s12 =	simm.s32 $0x100;
	s13 =	simm.s32 $0xA400  }
0x5: {  	s14 =	simm.s32 $0x180;
	s15 =	simm.s32 $0xC400;
	s16 =	simm.s32 $0xE400  }
0x6: {  	s17 =	simm.s32 $0x5;
	s18 =	simm.s32 $0x6;
	s19 =	simm.s32 $0x7  }
0x7: {  	s20 =	simm.s32 $0x8;
	s5 =	sand.u32 $0x1, s1;
	s6 =	sshll.u32 s0, $0x1  }
0x8: {  	s21 =	simm.s32 $0x0;
	s6 =	sor.u32 s5, s6;
	s5 =	ssub.s32 $0x2, s5  }
0x9: {  	[smem:$0x7FF] =	sst s3;
	s7 =	smul.u32 $0xC80, s6;
	s8 =	sshrl.u32 s5, $0x1  }
0xa: {  	v0 =	vlaneseq.u32;
	s1 =	rddreg [dreg:$0x2];
	_ =	strace $0x80000047;
	s8 =	ssub.s32 s5, s8  }
0xb: {  	v1 =	vmul.u32 $0x81, v0;
	s5 =	smul.u32 $0xC8, s6;
	s7 =	sadd.s32 s7, s4;
	s4 =	sadd.s32 $0xF42A00, s4  }
0xc: {  	v2 =	vor.u32 $0x10, v0;
	v3 =	vor.u32 $0x20, v0;
	v4 =	vor.u32 $0x30, v0;
	s6 =	sadd.s32 $0x600, s7;
	s7 =	smax.u32 s8, $0x1;
	s8 =	simm.s32 $0x9  }
.LBB2_1:
0xd: {  	[tilespmem:s3], [sflag:$0x9] =	stream.linear.gather [hbm4b:s6+s3], $0x6400, $0x38;
	[tilespmem:$0x16400] =	vst v63  }
0xe: {  	_ =	swait.ge [sflag:s8], $0x6400  }
0xf: {  	[sflag:s8] =	ssyncset.done $0x0  }
0x10: {  	[sflag:s8] =	ssyncadd.s32 $0xFFFF9C00  }
0x11: {  	[tilespmem:s10], [sflag:$0x1] =	stream.indirect.gather [hbm4b:s4+s9], $0x40, s3, s9, $0xb8;
	[tilespmem:$0x16400] =	vst v63  }
0x12: {  	_ = 	snop  }
0x13: {  	[tilespmem:s11], [sflag:$0x2] =	stream.indirect.gather [hbm4b:s4+s9], $0x40, s9, s9, $0xb8;
	[tilespmem:$0x16400] =	vst v63  }
0x14: {  	_ = 	snop  }
0x15: {  	[tilespmem:s13], [sflag:$0x3] =	stream.indirect.gather [hbm4b:s4+s9], $0x40, s12, s9, $0xb8;
	[tilespmem:$0x16400] =	vst v63  }
0x16: {  	s22 =	simm.s32 $0x0  }
0x17: {  	[tilespmem:s15], [sflag:$0x4] =	stream.indirect.gather [hbm4b:s4+s9], $0x40, s14, s9, $0xb8;
	[tilespmem:$0x16400] =	vst v63  }
.LBB2_2:
0x18: {  	s23 =	sand.u32 $0x3, s22;
	s28 =	simm.s32 $0x0  }
0x19: {  	s26 =	sshll.u32 s23, $0x7;
	v17 =	vadd.s32 s28, v0  }
0x1a: {  	v19 =	vmov s26;
	v13 =	vand.u32 $0xF, v17  }
0x1b: {  	s24 =	sadd.s32 $0x1, s23;
	v5 =	vor.u32 v19, v13  }
0x1c: {  	_ =	swait.ge [sflag:s24], $0x2000;
	v5 =	vshll.u32 v5, $0x6  }
0x1d: {  	p0 =	slt.u32 s22, $0x4;
	[sflag:s24] =	ssyncset.done $0x0;
	v6 =	vor.u32 v0, v5  }
0x1e: {  	s25 =	sadd.s32 @!p0 $0x5, s23;
	[sflag:s24] =	ssyncadd.s32 $0xFFFFE000  }
0x1f: {  	_ =	swait.ge @!p0 [sflag:s25], $0x2000  }
0x20: {  	[sflag:s25] =	ssyncset.done @!p0 $0x0  }
0x21: {  	v7 =	vadd.s32 s28, v1;
	[sflag:s25] =	ssyncadd.s32 @!p0 $0xFFFFE000;
	s25 =	sshll.u32 s23, $0xD  }
0x22: {  	v7 =	vand.u32 $0x788, v7;
	v22 =	vmov s25;
	v6 =	vld.idx.msk [tilespmem:v6+s10+$0x0], $0xffff  }
0x23: {  	v8 =	vand.u32 $0x7, v17;
	v7 =	vor.u32 v22, v7  }
0x24: {  	v30 =	vor.u32 v8, v7  }
0x25: {  	v7 =	vor.u32 v2, v5;
	_ =	sdelay $0x1  }
0x26: {  	v6 =	vmul.f32 $8.000000000e+00, v6;
	_ =	sdelay $0x1  }
0x27: {  	[tilespmem:v30+s16+$0x0] =	vst.idx.msk $0xffff, v6  }
0x28: {  	v6 =	vld.idx.msk [tilespmem:v7+s10+$0x0], $0xffff;
	_ =	sdelay $0x1  }
0x29: {  	v7 =	vor.u32 $0x800, v30  }
0x2a: {  	v8 =	vor.u32 v3, v5;
	_ =	sdelay $0x1  }
0x2b: {  	v6 =	vmul.f32 $8.000000000e+00, v6;
	_ =	sdelay $0x1  }
0x2c: {  	[tilespmem:v7+s16+$0x0] =	vst.idx.msk $0xffff, v6  }
0x2d: {  	v6 =	vld.idx.msk [tilespmem:v8+s10+$0x0], $0xffff;
	_ =	sdelay $0x1  }
0x2e: {  	v7 =	vor.u32 $0x1000, v30  }
0x2f: {  	v5 =	vor.u32 v4, v5;
	_ =	sdelay $0x1  }
0x30: {  	v6 =	vmul.f32 $8.000000000e+00, v6;
	_ =	sdelay $0x1  }
0x31: {  	s31 =	sor.u32 $0x10, s26;
	[tilespmem:v7+s16+$0x0] =	vst.idx.msk $0xffff, v6  }
0x32: {  	v24 =	vmov s31;
	v5 =	vld.idx.msk [tilespmem:v5+s10+$0x0], $0xffff  }
0x33: {  	v6 =	vor.u32 v24, v17  }
0x34: {  	v7 =	vor.u32 $0x1800, v30;
	v6 =	vshll.u32 v6, $0x6  }
0x35: {  	v8 =	vor.u32 v0, v6  }
0x36: {  	s29 =	simm.s32 $0x1  }
0x37: {  	v31 =	vadd.s32 s29, v0;
	v5 =	vmul.f32 $8.000000000e+00, v5  }
0x38: {  	v32 =	vand.u32 $0xF, v31  }
0x39: {  	v9 =	vor.u32 v19, v32;
	[tilespmem:v7+s16+$0x0] =	vst.idx.msk $0xffff, v5  }
0x3a: {  	v7 =	vshll.u32 v9, $0x6;
	v5 =	vld.idx.msk [tilespmem:v8+s10+$0x0], $0xffff  }
0x3b: {  	v8 =	vor.u32 v0, v7  }
0x3c: {  	v9 =	vor.u32 $0x10, v30  }
0x3d: {  	v10 =	vor.u32 v2, v6;
	_ =	sdelay $0x1  }
0x3e: {  	v11 =	vadd.s32 s29, v1;
	v5 =	vmul.f32 $8.000000000e+00, v5  }
0x3f: {  	v11 =	vand.u32 $0x788, v11;
	v8 =	vld.idx.msk [tilespmem:v8+s10+$0x0], $0xffff  }
0x40: {  	v12 =	vand.u32 $0x7, v31;
	v11 =	vor.u32 v22, v11;
	[tilespmem:v9+s16+$0x0] =	vst.idx.msk $0xffff, v5  }
0x41: {  	v5 =	vor.u32 v12, v11;
	v9 =	vld.idx.msk [tilespmem:v10+s10+$0x0], $0xffff  }
0x42: {  	v10 =	vor.u32 v2, v7  }
0x43: {  	v11 =	vor.u32 $0x810, v30  }
0x44: {  	v12 =	vor.u32 v3, v6;
	v8 =	vmul.f32 $8.000000000e+00, v8;
	_ =	sdelay $0x1  }
0x45: {  	[tilespmem:v5+s16+$0x0] =	vst.idx.msk $0xffff, v8;
	v8 =	vmul.f32 $8.000000000e+00, v9  }
0x46: {  	v9 =	vld.idx.msk [tilespmem:v10+s10+$0x0], $0xffff  }
0x47: {  	[tilespmem:v11+s16+$0x0] =	vst.idx.msk $0xffff, v8  }
0x48: {  	v8 =	vor.u32 $0x800, v5;
	v10 =	vld.idx.msk [tilespmem:v12+s10+$0x0], $0xffff  }
0x49: {  	v11 =	vor.u32 v3, v7  }
0x4a: {  	v12 =	vor.u32 $0x1010, v30  }
0x4b: {  	v6 =	vor.u32 v4, v6;
	v9 =	vmul.f32 $8.000000000e+00, v9;
	_ =	sdelay $0x1  }
0x4c: {  	[tilespmem:v8+s16+$0x0] =	vst.idx.msk $0xffff, v9;
	v8 =	vmul.f32 $8.000000000e+00, v10  }
0x4d: {  	v9 =	vld.idx.msk [tilespmem:v11+s10+$0x0], $0xffff  }
0x4e: {  	s30 =	sor.u32 $0x20, s26;
	[tilespmem:v12+s16+$0x0] =	vst.idx.msk $0xffff, v8  }
0x4f: {  	v25 =	vmov s30;
	v8 =	vor.u32 $0x1000, v5;
	v6 =	vld.idx.msk [tilespmem:v6+s10+$0x0], $0xffff  }
0x50: {  	v7 =	vor.u32 v4, v7;
	v10 =	vor.u32 v25, v13  }
0x51: {  	v11 =	vor.u32 $0x1810, v30;
	v10 =	vshll.u32 v10, $0x6  }
0x52: {  	v12 =	vor.u32 v0, v10;
	v9 =	vmul.f32 $8.000000000e+00, v9;
	_ =	sdelay $0x1  }
0x53: {  	[tilespmem:v8+s16+$0x0] =	vst.idx.msk $0xffff, v9;
	v6 =	vmul.f32 $8.000000000e+00, v6  }
0x54: {  	v7 =	vld.idx.msk [tilespmem:v7+s10+$0x0], $0xffff  }
0x55: {  	v8 =	vor.u32 v24, v31;
	[tilespmem:v11+s16+$0x0] =	vst.idx.msk $0xffff, v6  }
0x56: {  	s31 =	simm.s32 $0x2;
	v9 =	vshll.u32 v8, $0x6;
	v6 =	vor.u32 $0x1800, v5;
	v11 =	vld.idx.msk [tilespmem:v12+s10+$0x0], $0xffff  }
0x57: {  	v8 =	vadd.s32 s31, v0;
	v14 =	vor.u32 v0, v9  }
0x58: {  	v15 =	vor.u32 $0x20, v30;
	v12 =	vand.u32 $0xF, v8  }
0x59: {  	v18 =	vor.u32 v2, v10;
	v16 =	vor.u32 v19, v12;
	v7 =	vmul.f32 $8.000000000e+00, v7  }
0x5a: {  	v16 =	vshll.u32 v16, $0x6  }
0x5b: {  	[tilespmem:v6+s16+$0x0] =	vst.idx.msk $0xffff, v7;
	v6 =	vor.u32 v0, v16;
	v7 =	vmul.f32 $8.000000000e+00, v11  }
0x5c: {  	v11 =	vld.idx.msk [tilespmem:v14+s10+$0x0], $0xffff  }
0x5d: {  	[tilespmem:v15+s16+$0x0] =	vst.idx.msk $0xffff, v7  }
0x5e: {  	v7 =	vor.u32 $0x10, v5;
	v14 =	vld.idx.msk [tilespmem:v18+s10+$0x0], $0xffff  }
0x5f: {  	v15 =	vadd.s32 s31, v1;
	v18 =	vor.u32 v2, v9  }
0x60: {  	v23 =	vor.u32 $0x820, v30;
	v20 =	vand.u32 $0x7, v8;
	v15 =	vand.u32 $0x788, v15;
	v21 =	vld.idx.msk [tilespmem:v6+s10+$0x0], $0xffff  }
0x61: {  	v6 =	vor.u32 v22, v15;
	v15 =	vor.u32 v3, v10;
	v11 =	vmul.f32 $8.000000000e+00, v11  }
0x62: {  	v6 =	vor.u32 v20, v6  }
0x63: {  	[tilespmem:v7+s16+$0x0] =	vst.idx.msk $0xffff, v11;
	v7 =	vor.u32 v2, v16;
	v11 =	vmul.f32 $8.000000000e+00, v14  }
0x64: {  	v14 =	vld.idx.msk [tilespmem:v18+s10+$0x0], $0xffff  }
0x65: {  	v18 =	vmul.f32 $8.000000000e+00, v21;
	[tilespmem:v23+s16+$0x0] =	vst.idx.msk $0xffff, v11  }
0x66: {  	v11 =	vor.u32 $0x810, v5;
	v15 =	vld.idx.msk [tilespmem:v15+s10+$0x0], $0xffff  }
0x67: {  	[tilespmem:v6+s16+$0x0] =	vst.idx.msk $0xffff, v18;
	v18 =	vor.u32 v3, v9  }
0x68: {  	v20 =	vor.u32 $0x1020, v30;
	v7 =	vld.idx.msk [tilespmem:v7+s10+$0x0], $0xffff  }
0x69: {  	v10 =	vor.u32 v4, v10;
	v14 =	vmul.f32 $8.000000000e+00, v14  }
0x6a: {  	v21 =	vor.u32 $0x800, v6  }
0x6b: {  	[tilespmem:v11+s16+$0x0] =	vst.idx.msk $0xffff, v14;
	v11 =	vor.u32 v3, v16;
	v14 =	vmul.f32 $8.000000000e+00, v15  }
0x6c: {  	v15 =	vld.idx.msk [tilespmem:v18+s10+$0x0], $0xffff  }
0x6d: {  	s29 =	sor.u32 $0x30, s26;
	v7 =	vmul.f32 $8.000000000e+00, v7;
	[tilespmem:v20+s16+$0x0] =	vst.idx.msk $0xffff, v14  }
0x6e: {  	v27 =	vmov s29;
	v14 =	vor.u32 $0x1010, v5;
	v10 =	vld.idx.msk [tilespmem:v10+s10+$0x0], $0xffff  }
0x6f: {  	[tilespmem:v21+s16+$0x0] =	vst.idx.msk $0xffff, v7;
	v7 =	vor.u32 v4, v9;
	v9 =	vor.u32 v27, v17  }
0x70: {  	v18 =	vor.u32 $0x1820, v30;
	v11 =	vld.idx.msk [tilespmem:v11+s10+$0x0], $0xffff;
	v9 =	vshll.u32 v9, $0x6  }
0x71: {  	v15 =	vmul.f32 $8.000000000e+00, v15;
	v20 =	vor.u32 v0, v9  }
0x72: {  	v21 =	vor.u32 $0x1000, v6  }
0x73: {  	[tilespmem:v14+s16+$0x0] =	vst.idx.msk $0xffff, v15;
	v14 =	vor.u32 v4, v16;
	v10 =	vmul.f32 $8.000000000e+00, v10  }
0x74: {  	v7 =	vld.idx.msk [tilespmem:v7+s10+$0x0], $0xffff  }
0x75: {  	v15 =	vor.u32 v25, v32;
	v11 =	vmul.f32 $8.000000000e+00, v11;
	[tilespmem:v18+s16+$0x0] =	vst.idx.msk $0xffff, v10  }
0x76: {  	v15 =	vshll.u32 v15, $0x6;
	v10 =	vor.u32 $0x1810, v5;
	v16 =	vld.idx.msk [tilespmem:v20+s10+$0x0], $0xffff  }
0x77: {  	[tilespmem:v21+s16+$0x0] =	vst.idx.msk $0xffff, v11;
	v11 =	vor.u32 v0, v15  }
0x78: {  	v20 =	vor.u32 $0x30, v30;
	v18 =	vld.idx.msk [tilespmem:v14+s10+$0x0], $0xffff  }
0x79: {  	v21 =	vor.u32 v2, v9;
	v14 =	vor.u32 v24, v8;
	v7 =	vmul.f32 $8.000000000e+00, v7  }
0x7a: {  	v23 =	vor.u32 $0x1800, v6;
	v26 =	vshll.u32 v14, $0x6  }
0x7b: {  	s30 =	simm.s32 $0x3;
	[tilespmem:v10+s16+$0x0] =	vst.idx.msk $0xffff, v7;
	v7 =	vmul.f32 $8.000000000e+00, v16;
	v16 =	vor.u32 v0, v26  }
0x7c: {  	v10 =	vadd.s32 s30, v0;
	v11 =	vld.idx.msk [tilespmem:v11+s10+$0x0], $0xffff  }
0x7d: {  	v14 =	vand.u32 $0xF, v10;
	v18 =	vmul.f32 $8.000000000e+00, v18;
	[tilespmem:v20+s16+$0x0] =	vst.idx.msk $0xffff, v7  }
0x7e: {  	v7 =	vor.u32 v19, v14;
	v20 =	vor.u32 $0x20, v5;
	v21 =	vld.idx.msk [tilespmem:v21+s10+$0x0], $0xffff  }
0x7f: {  	[tilespmem:v23+s16+$0x0] =	vst.idx.msk $0xffff, v18;
	v18 =	vor.u32 v2, v15;
	v23 =	vshll.u32 v7, $0x6  }
0x80: {  	v28 =	vor.u32 $0x830, v30;
	v7 =	vor.u32 v0, v23;
	v16 =	vld.idx.msk [tilespmem:v16+s10+$0x0], $0xffff  }
0x81: {  	v29 =	vor.u32 v3, v9;
	v11 =	vmul.f32 $8.000000000e+00, v11  }
0x82: {  	v33 =	vor.u32 $0x10, v6  }
0x83: {  	[tilespmem:v20+s16+$0x0] =	vst.idx.msk $0xffff, v11;
	v20 =	vor.u32 v2, v26;
	v11 =	vmul.f32 $8.000000000e+00, v21  }
0x84: {  	v21 =	vadd.s32 s30, v1;
	v18 =	vld.idx.msk [tilespmem:v18+s10+$0x0], $0xffff  }
0x85: {  	v21 =	vand.u32 $0x788, v21;
	v34 =	vld.idx.msk [tilespmem:v7+s10+$0x0], $0xffff;
	[tilespmem:v28+s16+$0x0] =	vst.idx.msk $0xffff, v11;
	v11 =	vmul.f32 $8.000000000e+00, v16  }
0x86: {  	v7 =	vand.u32 $0x7, v10;
	v16 =	vor.u32 v22, v21;
	v21 =	vor.u32 $0x820, v5;
	v28 =	vld.idx.msk [tilespmem:v29+s10+$0x0], $0xffff  }
0x87: {  	v29 =	vor.u32 v3, v15;
	v7 =	vor.u32 v7, v16;
	[tilespmem:v33+s16+$0x0] =	vst.idx.msk $0xffff, v11  }
0x88: {  	v11 =	vor.u32 v2, v23;
	v16 =	vld.idx.msk [tilespmem:v20+s10+$0x0], $0xffff;
	v20 =	vor.u32 $0x1030, v30  }
0x89: {  	v9 =	vor.u32 v4, v9;
	v18 =	vmul.f32 $8.000000000e+00, v18  }
0x8a: {  	v45 =	vor.u32 $0x810, v6;
	v44 =	vmul.f32 $8.000000000e+00, v34  }
0x8b: {  	[tilespmem:v21+s16+$0x0] =	vst.idx.msk $0xffff, v18;
	v21 =	vor.u32 v3, v26;
	v18 =	vmul.f32 $8.000000000e+00, v28  }
0x8c: {  	v29 =	vld.idx.msk [tilespmem:v29+s10+$0x0], $0xffff;
	[tilespmem:v7+s16+$0x0] =	vst.idx.msk $0xffff, v44  }
0x8d: {  	s31 =	sor.u32 $0x40, s26;
	v11 =	vld.idx.msk [tilespmem:v11+s10+$0x0], $0xffff;
	[tilespmem:v20+s16+$0x0] =	vst.idx.msk $0xffff, v18;
	v16 =	vmul.f32 $8.000000000e+00, v16  }
0x8e: {  	v28 =	vmov s31;
	v18 =	vor.u32 $0x1020, v5;
	v9 =	vld.idx.msk [tilespmem:v9+s10+$0x0], $0xffff  }
0x8f: {  	v15 =	vor.u32 v4, v15;
	v46 =	vor.u32 $0x800, v7;
	v20 =	vor.u32 v28, v13;
	[tilespmem:v45+s16+$0x0] =	vst.idx.msk $0xffff, v16  }
0x90: {  	v47 =	vor.u32 $0x1830, v30;
	v20 =	vshll.u32 v20, $0x6;
	v16 =	vor.u32 v3, v23;
	v21 =	vld.idx.msk [tilespmem:v21+s10+$0x0], $0xffff  }
0x91: {  	v35 =	vor.u32 v0, v20;
	v29 =	vmul.f32 $8.000000000e+00, v29  }
0x92: {  	v36 =	vor.u32 $0x1010, v6;
	v11 =	vmul.f32 $8.000000000e+00, v11  }
0x93: {  	[tilespmem:v18+s16+$0x0] =	vst.idx.msk $0xffff, v29;
	v18 =	vor.u32 v4, v26;
	v9 =	vmul.f32 $8.000000000e+00, v9  }
0x94: {  	v15 =	vld.idx.msk [tilespmem:v15+s10+$0x0], $0xffff;
	[tilespmem:v46+s16+$0x0] =	vst.idx.msk $0xffff, v11  }
0x95: {  	v11 =	vld.idx.msk [tilespmem:v16+s10+$0x0], $0xffff;
	v16 =	vor.u32 v27, v31;
	[tilespmem:v47+s16+$0x0] =	vst.idx.msk $0xffff, v9;
	v9 =	vmul.f32 $8.000000000e+00, v21  }
0x96: {  	v21 =	vor.u32 $0x1820, v5;
	v29 =	vshll.u32 v16, $0x6;
	v16 =	vld.idx.msk [tilespmem:v35+s10+$0x0], $0xffff  }
0x97: {  	v48 =	vor.u32 $0x1000, v7;
	v26 =	vor.u32 v0, v29;
	[tilespmem:v36+s16+$0x0] =	vst.idx.msk $0xffff, v9  }
0x98: {  	v9 =	vor.u32 v4, v23;
	v23 =	vor.u32 $0x40, v30;
	v18 =	vld.idx.msk [tilespmem:v18+s10+$0x0], $0xffff  }
0x99: {  	v50 =	vor.u32 v25, v12;
	v49 =	vor.u32 v2, v20;
	v15 =	vmul.f32 $8.000000000e+00, v15  }
0x9a: {  	v51 =	vor.u32 $0x1810, v6;
	v35 =	vshll.u32 v50, $0x6;
	v11 =	vmul.f32 $8.000000000e+00, v11  }
0x9b: {  	[tilespmem:v21+s16+$0x0] =	vst.idx.msk $0xffff, v15;
	v15 =	vmul.f32 $8.000000000e+00, v16;
	v16 =	vor.u32 v0, v35  }
0x9c: {  	v21 =	vld.idx.msk [tilespmem:v26+s10+$0x0], $0xffff;
	[tilespmem:v48+s16+$0x0] =	vst.idx.msk $0xffff, v11  }
0x9d: {  	v9 =	vld.idx.msk [tilespmem:v9+s10+$0x0], $0xffff;
	[tilespmem:v23+s16+$0x0] =	vst.idx.msk $0xffff, v15;
	v11 =	vmul.f32 $8.000000000e+00, v18  }
0x9e: {  	v15 =	vor.u32 $0x30, v5;
	v23 =	vor.u32 v24, v10;
	v18 =	vld.idx.msk [tilespmem:v49+s10+$0x0], $0xffff  }
0x9f: {  	v52 =	vor.u32 $0x1800, v7;
	v26 =	vor.u32 v2, v29;
	v23 =	vshll.u32 v23, $0x6;
	[tilespmem:v51+s16+$0x0] =	vst.idx.msk $0xffff, v11  }
0xa0: {  	s29 =	simm.s32 $0x4;
	v54 =	vor.u32 $0x840, v30;
	v37 =	vor.u32 v0, v23;
	v53 =	vld.idx.msk [tilespmem:v16+s10+$0x0], $0xffff  }
0xa1: {  	v39 =	vor.u32 $0x20, v6;
	v11 =	vadd.s32 s29, v0;
	v21 =	vmul.f32 $8.000000000e+00, v21  }
0xa2: {  	v38 =	vor.u32 v3, v20;
	v16 =	vand.u32 $0xF, v11;
	v9 =	vmul.f32 $8.000000000e+00, v9  }
0xa3: {  	[tilespmem:v15+s16+$0x0] =	vst.idx.msk $0xffff, v21;
	v15 =	vor.u32 v19, v16;
	v21 =	vor.u32 v2, v35;
	v18 =	vmul.f32 $8.000000000e+00, v18  }
0xa4: {  	v26 =	vld.idx.msk [tilespmem:v26+s10+$0x0], $0xffff;
	[tilespmem:v52+s16+$0x0] =	vst.idx.msk $0xffff, v9;
	v15 =	vshll.u32 v15, $0x6  }
0xa5: {  	v9 =	vor.u32 v0, v15;
	[tilespmem:v54+s16+$0x0] =	vst.idx.msk $0xffff, v18;
	v18 =	vld.idx.msk [tilespmem:v37+s10+$0x0], $0xffff;
	v55 =	vmul.f32 $8.000000000e+00, v53  }
0xa6: {  	v56 =	vor.u32 $0x830, v5  }
0xa7: {  	v58 =	vor.u32 $0x10, v7;
	v57 =	vor.u32 v3, v29;
	v36 =	vld.idx.msk [tilespmem:v38+s10+$0x0], $0xffff;
	[tilespmem:v39+s16+$0x0] =	vst.idx.msk $0xffff, v55  }
0xa8: {  	v59 =	vadd.s32 s29, v1;
	v60 =	vor.u32 v2, v23;
	v21 =	vld.idx.msk [tilespmem:v21+s10+$0x0], $0xffff  }
0xa9: {  	v40 =	vor.u32 $0x1040, v30;
	v43 =	vor.u32 $0x820, v6;
	v26 =	vmul.f32 $8.000000000e+00, v26  }
0xaa: {  	v20 =	vor.u32 v4, v20;
	v38 =	vand.u32 $0x788, v59;
	v42 =	vld.idx.msk [tilespmem:v9+s10+$0x0], $0xffff;
	v18 =	vmul.f32 $8.000000000e+00, v18  }
0xab: {  	v61 =	vor.u32 v3, v35;
	v41 =	vand.u32 $0x7, v11;
	v9 =	vor.u32 v22, v38;
	[tilespmem:v56+s16+$0x0] =	vst.idx.msk $0xffff, v26  }
0xac: {  	v9 =	vor.u32 v41, v9;
	v26 =	vmul.f32 $8.000000000e+00, v36;
	v62 =	vld.idx.msk [tilespmem:v57+s10+$0x0], $0xffff;
	[tilespmem:v58+s16+$0x0] =	vst.idx.msk $0xffff, v18  }
0xad: {  	s30 =	sor.u32 $0x50, s26;
	v18 =	vor.u32 v2, v15;
	v33 =	vld.idx.msk [tilespmem:v60+s10+$0x0], $0xffff;
	v21 =	vmul.f32 $8.000000000e+00, v21  }
0xae: {  	v63 =	vor.u32 $0x1030, v5;
	v29 =	vor.u32 v4, v29;
	[tilespmem:v40+s16+$0x0] =	vst.idx.msk $0xffff, v26;
	v26 =	vmov s30  }
0xaf: {  	v46 =	vor.u32 $0x810, v7;
	v20 =	vld.idx.msk [tilespmem:v20+s10+$0x0], $0xffff;
	v45 =	vmul.f32 $8.000000000e+00, v42;
	[tilespmem:v43+s16+$0x0] =	vst.idx.msk $0xffff, v21;
	v21 =	vor.u32 v26, v17  }
0xb0: {  	v34 =	vld.idx.msk [tilespmem:v61+s10+$0x0], $0xffff;
	v40 =	vshll.u32 v21, $0x6;
	v21 =	vor.u32 v3, v23  }
0xb1: {  	v47 =	vor.u32 $0x1840, v30;
	v36 =	vmul.f32 $8.000000000e+00, v62;
	[tilespmem:v9+s16+$0x0] =	vst.idx.msk $0xffff, v45  }
0xb2: {  	v49 =	vor.u32 $0x1020, v6;
	v48 =	vor.u32 v0, v40;
	v18 =	vld.idx.msk [tilespmem:v18+s10+$0x0], $0xffff;
	v33 =	vmul.f32 $8.000000000e+00, v33  }
0xb3: {  	v35 =	vor.u32 v4, v35;
	[tilespmem:v63+s16+$0x0] =	vst.idx.msk $0xffff, v36  }
0xb4: {  	v51 =	vor.u32 $0x800, v9;
	v20 =	vmul.f32 $8.000000000e+00, v20;
	v29 =	vld.idx.msk [tilespmem:v29+s10+$0x0], $0xffff;
	[tilespmem:v46+s16+$0x0] =	vst.idx.msk $0xffff, v33  }
0xb5: {  	v50 =	vor.u32 v28, v32;
	v21 =	vld.idx.msk [tilespmem:v21+s10+$0x0], $0xffff;
	v34 =	vmul.f32 $8.000000000e+00, v34  }
0xb6: {  	v52 =	vor.u32 v3, v15;
	v53 =	vor.u32 $0x1830, v5;
	[tilespmem:v47+s16+$0x0] =	vst.idx.msk $0xffff, v20;
	v20 =	vshll.u32 v50, $0x6  }
0xb7: {  	v55 =	vor.u32 $0x1010, v7;
	v38 =	vld.idx.msk [tilespmem:v48+s10+$0x0], $0xffff;
	v54 =	vor.u32 v0, v20;
	v18 =	vmul.f32 $8.000000000e+00, v18;
	[tilespmem:v49+s16+$0x0] =	vst.idx.msk $0xffff, v34  }
0xb8: {  	v56 =	vor.u32 $0x50, v30;
	v23 =	vor.u32 v4, v23;
	v35 =	vld.idx.msk [tilespmem:v35+s10+$0x0], $0xffff  }
0xb9: {  	v58 =	vor.u32 $0x1820, v6;
	v29 =	vmul.f32 $8.000000000e+00, v29;
	[tilespmem:v51+s16+$0x0] =	vst.idx.msk $0xffff, v18;
	v18 =	vor.u32 v27, v8  }
0xba: {  	v57 =	vor.u32 v2, v40;
	v18 =	vshll.u32 v18, $0x6;
	v21 =	vmul.f32 $8.000000000e+00, v21  }
0xbb: {  	v33 =	vld.idx.msk [tilespmem:v52+s10+$0x0], $0xffff;
	[tilespmem:v53+s16+$0x0] =	vst.idx.msk $0xffff, v29;
	v29 =	vor.u32 v0, v18  }
0xbc: {  	v59 =	vmul.f32 $8.000000000e+00, v38;
	v60 =	vld.idx.msk [tilespmem:v54+s10+$0x0], $0xffff;
	[tilespmem:v55+s16+$0x0] =	vst.idx.msk $0xffff, v21  }
0xbd: {  	v61 =	vor.u32 $0x1000, v9;
	v21 =	vld.idx.msk [tilespmem:v23+s10+$0x0], $0xffff;
	v23 =	vmul.f32 $8.000000000e+00, v35  }
0xbe: {  	v15 =	vor.u32 v4, v15;
	v62 =	vor.u32 $0x40, v5;
	v45 =	vor.u32 v25, v14;
	[tilespmem:v56+s16+$0x0] =	vst.idx.msk $0xffff, v59  }
0xbf: {  	v37 =	vshll.u32 v45, $0x6;
	v63 =	vor.u32 v2, v20;
	v36 =	vld.idx.msk [tilespmem:v57+s10+$0x0], $0xffff;
	[tilespmem:v58+s16+$0x0] =	vst.idx.msk $0xffff, v23;
	v23 =	vor.u32 $0x1810, v7  }
0xc0: {  	v46 =	vor.u32 v0, v37;
	v33 =	vmul.f32 $8.000000000e+00, v33;
	v29 =	vld.idx.msk [tilespmem:v29+s10+$0x0], $0xffff  }
0xc1: {  	v47 =	vor.u32 $0x850, v30;
	v38 =	vmul.f32 $8.000000000e+00, v60  }
0xc2: {  	v48 =	vor.u32 v3, v40;
	v49 =	vor.u32 $0x30, v6;
	[tilespmem:v61+s16+$0x0] =	vst.idx.msk $0xffff, v33;
	v21 =	vmul.f32 $8.000000000e+00, v21  }
0xc3: {  	s31 =	simm.s32 $0x5;
	v51 =	vor.u32 v24, v11;
	v52 =	vor.u32 $0x840, v5;
	v39 =	vld.idx.msk [tilespmem:v15+s10+$0x0], $0xffff;
	[tilespmem:v62+s16+$0x0] =	vst.idx.msk $0xffff, v38  }
0xc4: {  	v50 =	vor.u32 v2, v18;
	v15 =	vadd.s32 s31, v0;
	v36 =	vmul.f32 $8.000000000e+00, v36;
	v35 =	vld.idx.msk [tilespmem:v63+s10+$0x0], $0xffff;
	[tilespmem:v23+s16+$0x0] =	vst.idx.msk $0xffff, v21  }
0xc5: {  	v38 =	vshll.u32 v51, $0x6;
	v23 =	vor.u32 $0x1800, v9;
	v41 =	vld.idx.msk [tilespmem:v46+s10+$0x0], $0xffff;
	v29 =	vmul.f32 $8.000000000e+00, v29  }
0xc6: {  	v54 =	vor.u32 $0x20, v7;
	v53 =	vor.u32 v0, v38;
	v21 =	vand.u32 $0xF, v15;
	[tilespmem:v47+s16+$0x0] =	vst.idx.msk $0xffff, v36  }
0xc7: {  	v44 =	vor.u32 v19, v21;
	v33 =	vld.idx.msk [tilespmem:v48+s10+$0x0], $0xffff;
	[tilespmem:v49+s16+$0x0] =	vst.idx.msk $0xffff, v29;
	v29 =	vor.u32 v3, v20  }
0xc8: {  	v45 =	vor.u32 v2, v37;
	v39 =	vmul.f32 $8.000000000e+00, v39;
	v44 =	vshll.u32 v44, $0x6  }
0xc9: {  	v46 =	vor.u32 $0x1050, v30;
	v55 =	vor.u32 v0, v44;
	v34 =	vld.idx.msk [tilespmem:v50+s10+$0x0], $0xffff;
	v35 =	vmul.f32 $8.000000000e+00, v35  }
0xca: {  	v40 =	vor.u32 v4, v40;
	[tilespmem:v23+s16+$0x0] =	vst.idx.msk $0xffff, v39;
	v41 =	vmul.f32 $8.000000000e+00, v41  }
0xcb: {  	v57 =	vor.u32 v3, v18;
	v60 =	vor.u32 $0x10, v9;
	v47 =	vor.u32 $0x830, v6;
	[tilespmem:v52+s16+$0x0] =	vst.idx.msk $0xffff, v35;
	v56 =	vld.idx.msk [tilespmem:v53+s10+$0x0], $0xffff  }
0xcc: {  	v59 =	vand.u32 $0x7, v15;
	v48 =	vadd.s32 s31, v1;
	v33 =	vmul.f32 $8.000000000e+00, v33;
	v29 =	vld.idx.msk [tilespmem:v29+s10+$0x0], $0xffff;
	[tilespmem:v54+s16+$0x0] =	vst.idx.msk $0xffff, v41  }
0xcd: {  	s29 =	sor.u32 $0x60, s26;
	v62 =	vor.u32 $0x1040, v5;
	v61 =	vor.u32 v2, v38;
	v58 =	vand.u32 $0x788, v48;
	v45 =	vld.idx.msk [tilespmem:v45+s10+$0x0], $0xffff  }
0xce: {  	v20 =	vor.u32 v4, v20;
	v23 =	vmov s29;
	v39 =	vld.idx.msk [tilespmem:v55+s10+$0x0], $0xffff;
	v34 =	vmul.f32 $8.000000000e+00, v34;
	[tilespmem:v46+s16+$0x0] =	vst.idx.msk $0xffff, v33  }
0xcf: {  	v42 =	vor.u32 v22, v58;
	v13 =	vor.u32 v23, v13;
	v52 =	vor.u32 $0x820, v7;
	v40 =	vld.idx.msk [tilespmem:v40+s10+$0x0], $0xffff  }
0xd0: {  	[tilespmem:v47+s16+$0x0] =	vst.idx.msk $0xffff, v34;
	v63 =	vmul.f32 $8.000000000e+00, v56;
	v47 =	vshll.u32 v13, $0x6;
	v13 =	vor.u32 v59, v42  }
0xd1: {  	v49 =	vor.u32 $0x1850, v30;
	v53 =	vor.u32 v3, v37;
	v36 =	vld.idx.msk [tilespmem:v57+s10+$0x0], $0xffff;
	v29 =	vmul.f32 $8.000000000e+00, v29  }
0xd2: {  	v55 =	vor.u32 v2, v44;
	[tilespmem:v60+s16+$0x0] =	vst.idx.msk $0xffff, v63;
	v56 =	vmul.f32 $8.000000000e+00, v45  }
0xd3: {  	v54 =	vor.u32 v0, v47;
	v57 =	vor.u32 $0x1030, v6;
	v39 =	vmul.f32 $8.000000000e+00, v39;
	v33 =	vld.idx.msk [tilespmem:v61+s10+$0x0], $0xffff;
	[tilespmem:v62+s16+$0x0] =	vst.idx.msk $0xffff, v29  }
0xd4: {  	v18 =	vor.u32 v4, v18;
	v51 =	vor.u32 v24, v15;
	v29 =	vmul.f32 $8.000000000e+00, v40;
	[tilespmem:v52+s16+$0x0] =	vst.idx.msk $0xffff, v56  }
0xd5: {  	v58 =	vor.u32 v26, v31;
	v59 =	vor.u32 $0x810, v9;
	v20 =	vld.idx.msk [tilespmem:v20+s10+$0x0], $0xffff;
	[tilespmem:v13+s16+$0x0] =	vst.idx.msk $0xffff, v39  }
0xd6: {  	v35 =	vshll.u32 v58, $0x6;
	v36 =	vmul.f32 $8.000000000e+00, v36;
	v42 =	vld.idx.msk [tilespmem:v53+s10+$0x0], $0xffff;
	[tilespmem:v49+s16+$0x0] =	vst.idx.msk $0xffff, v29;
	v29 =	vor.u32 v3, v38  }
0xd7: {  	v37 =	vor.u32 v4, v37;
	v58 =	vor.u32 v4, v38;
	v60 =	vor.u32 $0x1840, v5;
	v41 =	vld.idx.msk [tilespmem:v55+s10+$0x0], $0xffff  }
0xd8: {  	v61 =	vor.u32 v0, v35;
	v62 =	vor.u32 $0x1020, v7;
	v34 =	vld.idx.msk [tilespmem:v54+s10+$0x0], $0xffff;
	[tilespmem:v57+s16+$0x0] =	vst.idx.msk $0xffff, v36;
	v33 =	vmul.f32 $8.000000000e+00, v33  }
0xd9: {  	v32 =	vor.u32 v23, v32;
	v63 =	vor.u32 v28, v12;
	v53 =	vor.u32 $0x800, v13;
	v18 =	vld.idx.msk [tilespmem:v18+s10+$0x0], $0xffff  }
0xda: {  	v52 =	vor.u32 $0x60, v30;
	v55 =	vor.u32 v3, v44;
	v20 =	vmul.f32 $8.000000000e+00, v20;
	[tilespmem:v59+s16+$0x0] =	vst.idx.msk $0xffff, v33  }
0xdb: {  	v56 =	vor.u32 $0x1830, v6;
	v54 =	vor.u32 v2, v47;
	v29 =	vld.idx.msk [tilespmem:v29+s10+$0x0], $0xffff;
	v42 =	vmul.f32 $8.000000000e+00, v42  }
0xdc: {  	v44 =	vor.u32 v4, v44;
	v57 =	vor.u32 $0x1010, v9;
	v41 =	vmul.f32 $8.000000000e+00, v41;
	[tilespmem:v60+s16+$0x0] =	vst.idx.msk $0xffff, v20  }
0xdd: {  	v33 =	vshll.u32 v63, $0x6;
	v59 =	vor.u32 $0x50, v5;
	v34 =	vmul.f32 $8.000000000e+00, v34;
	v39 =	vld.idx.msk [tilespmem:v61+s10+$0x0], $0xffff;
	[tilespmem:v62+s16+$0x0] =	vst.idx.msk $0xffff, v42  }
0xde: {  	v63 =	vor.u32 $0x860, v30;
	v20 =	vor.u32 v0, v33;
	[tilespmem:v53+s16+$0x0] =	vst.idx.msk $0xffff, v41;
	v37 =	vld.idx.msk [tilespmem:v37+s10+$0x0], $0xffff;
	v18 =	vmul.f32 $8.000000000e+00, v18  }
0xdf: {  	v60 =	vor.u32 v27, v10;
	v61 =	vor.u32 v2, v35;
	[tilespmem:v52+s16+$0x0] =	vst.idx.msk $0xffff, v34;
	v43 =	vld.idx.msk [tilespmem:v55+s10+$0x0], $0xffff  }
0xe0: {  	v41 =	vshll.u32 v60, $0x6;
	v40 =	vld.idx.msk [tilespmem:v54+s10+$0x0], $0xffff;
	[tilespmem:v56+s16+$0x0] =	vst.idx.msk $0xffff, v18;
	v18 =	vmul.f32 $8.000000000e+00, v29;
	v29 =	vor.u32 $0x1820, v7  }
0xe1: {  	v53 =	vor.u32 v3, v47;
	v62 =	vor.u32 v0, v41;
	v52 =	vor.u32 $0x1000, v13  }
0xe2: {  	v60 =	vor.u32 v3, v35;
	v35 =	vor.u32 v4, v35;
	v39 =	vmul.f32 $8.000000000e+00, v39  }
0xe3: {  	v55 =	vor.u32 v2, v33;
	v20 =	vld.idx.msk [tilespmem:v20+s10+$0x0], $0xffff;
	[tilespmem:v57+s16+$0x0] =	vst.idx.msk $0xffff, v18;
	v18 =	vmul.f32 $8.000000000e+00, v37  }
0xe4: {  	v50 =	vor.u32 $0x1800, v13;
	v56 =	vor.u32 v25, v16;
	v34 =	vld.idx.msk [tilespmem:v58+s10+$0x0], $0xffff;
	v43 =	vmul.f32 $8.000000000e+00, v43;
	[tilespmem:v59+s16+$0x0] =	vst.idx.msk $0xffff, v39  }
0xe5: {  	v54 =	vor.u32 $0x40, v6;
	v42 =	vshll.u32 v56, $0x6;
	v40 =	vmul.f32 $8.000000000e+00, v40;
	v39 =	vld.idx.msk [tilespmem:v61+s10+$0x0], $0xffff;
	[tilespmem:v29+s16+$0x0] =	vst.idx.msk $0xffff, v18  }
0xe6: {  	s26 =	sor.u32 $0x70, s26;
	v56 =	vor.u32 v4, v47;
	v47 =	vshll.u32 v51, $0x6;
	v29 =	vor.u32 $0x1810, v9;
	[tilespmem:v52+s16+$0x0] =	vst.idx.msk $0xffff, v43;
	v45 =	vld.idx.msk [tilespmem:v62+s10+$0x0], $0xffff  }
0xe7: {  	v58 =	vor.u32 v0, v42;
	v59 =	vor.u32 $0x850, v5;
	v18 =	vmov s26;
	[tilespmem:v63+s16+$0x0] =	vst.idx.msk $0xffff, v40;
	v44 =	vld.idx.msk [tilespmem:v44+s10+$0x0], $0xffff  }
0xe8: {  	s30 =	simm.s32 $0x6;
	v61 =	vor.u32 $0x30, v7;
	v52 =	vor.u32 $0x20, v9;
	v57 =	vmul.f32 $8.000000000e+00, v20;
	v36 =	vld.idx.msk [tilespmem:v53+s10+$0x0], $0xffff  }
0xe9: {  	v20 =	vadd.s32 s30, v0;
	v62 =	vor.u32 v2, v41;
	v34 =	vmul.f32 $8.000000000e+00, v34  }
0xea: {  	v63 =	vor.u32 $0x1060, v30;
	v17 =	vor.u32 v18, v17;
	v53 =	vor.u32 $0x1050, v5;
	[tilespmem:v54+s16+$0x0] =	vst.idx.msk $0xffff, v57  }
0xeb: {  	v49 =	vshll.u32 v17, $0x6;
	v17 =	vor.u32 v3, v41;
	v38 =	vld.idx.msk [tilespmem:v55+s10+$0x0], $0xffff;
	v39 =	vmul.f32 $8.000000000e+00, v39;
	[tilespmem:v29+s16+$0x0] =	vst.idx.msk $0xffff, v34  }
0xec: {  	v57 =	vor.u32 $0x840, v6;
	v40 =	vld.idx.msk [tilespmem:v58+s10+$0x0], $0xffff;
	v45 =	vmul.f32 $8.000000000e+00, v45;
	v58 =	vor.u32 v0, v47  }
0xed: {  	v29 =	vand.u32 $0xF, v20;
	v44 =	vmul.f32 $8.000000000e+00, v44;
	[tilespmem:v59+s16+$0x0] =	vst.idx.msk $0xffff, v39;
	v36 =	vmul.f32 $8.000000000e+00, v36  }
0xee: {  	v59 =	vor.u32 v3, v33;
	v43 =	vld.idx.msk [tilespmem:v60+s10+$0x0], $0xffff;
	[tilespmem:v61+s16+$0x0] =	vst.idx.msk $0xffff, v45;
	v60 =	vor.u32 v19, v29  }
0xef: {  	v54 =	vshll.u32 v32, $0x6;
	v61 =	vor.u32 v2, v42;
	v48 =	vld.idx.msk [tilespmem:v62+s10+$0x0], $0xffff;
	[tilespmem:v63+s16+$0x0] =	vst.idx.msk $0xffff, v36;
	v36 =	vshll.u32 v60, $0x6  }
0xf0: {  	v55 =	vadd.s32 s30, v1;
	[tilespmem:v50+s16+$0x0] =	vst.idx.msk $0xffff, v44;
	v38 =	vmul.f32 $8.000000000e+00, v38;
	v34 =	vld.idx.msk [tilespmem:v56+s10+$0x0], $0xffff;
	v44 =	vor.u32 v0, v36  }
0xf1: {  	v37 =	vand.u32 $0x788, v55;
	v62 =	vor.u32 $0x830, v7;
	v40 =	vmul.f32 $8.000000000e+00, v40;
	v56 =	vld.idx.msk [tilespmem:v58+s10+$0x0], $0xffff  }
0xf2: {  	v32 =	vor.u32 v3, v42;
	v37 =	vor.u32 v22, v37;
	v63 =	vor.u32 $0x1860, v30;
	[tilespmem:v57+s16+$0x0] =	vst.idx.msk $0xffff, v38  }
0xf3: {  	v58 =	vor.u32 v0, v49;
	v46 =	vld.idx.msk [tilespmem:v59+s10+$0x0], $0xffff;
	v59 =	vor.u32 $0x10, v13;
	v43 =	vmul.f32 $8.000000000e+00, v43;
	[tilespmem:v52+s16+$0x0] =	vst.idx.msk $0xffff, v40  }
0xf4: {  	v33 =	vor.u32 v4, v33;
	v60 =	vor.u32 v2, v47;
	v45 =	vld.idx.msk [tilespmem:v61+s10+$0x0], $0xffff;
	v48 =	vmul.f32 $8.000000000e+00, v48  }
0xf5: {  	v42 =	vor.u32 v4, v42;
	v61 =	vor.u32 $0x1040, v6;
	[tilespmem:v53+s16+$0x0] =	vst.idx.msk $0xffff, v43;
	v34 =	vmul.f32 $8.000000000e+00, v34;
	v44 =	vld.idx.msk [tilespmem:v44+s10+$0x0], $0xffff  }
0xf6: {  	v57 =	vand.u32 $0x7, v20;
	v35 =	vld.idx.msk [tilespmem:v35+s10+$0x0], $0xffff;
	[tilespmem:v62+s16+$0x0] =	vst.idx.msk $0xffff, v48;
	v38 =	vmul.f32 $8.000000000e+00, v56;
	v62 =	vor.u32 $0x820, v9  }
0xf7: {  	v56 =	vor.u32 v0, v54;
	v48 =	vld.idx.msk [tilespmem:v17+s10+$0x0], $0xffff;
	[tilespmem:v63+s16+$0x0] =	vst.idx.msk $0xffff, v34;
	v17 =	vor.u32 v57, v37  }
0xf8: {  	v55 =	vor.u32 $0x1850, v5;
	v63 =	vmul.f32 $8.000000000e+00, v46;
	v50 =	vld.idx.msk [tilespmem:v58+s10+$0x0], $0xffff;
	[tilespmem:v59+s16+$0x0] =	vst.idx.msk $0xffff, v38;
	v38 =	vor.u32 v2, v36  }
0xf9: {  	v34 =	vor.u32 v4, v41;
	v58 =	vor.u32 $0x1030, v7;
	v57 =	vmul.f32 $8.000000000e+00, v45;
	v43 =	vld.idx.msk [tilespmem:v60+s10+$0x0], $0xffff  }
0xfa: {  	v59 =	vor.u32 $0x70, v30;
	[tilespmem:v61+s16+$0x0] =	vst.idx.msk $0xffff, v63;
	v60 =	vor.u32 v26, v8;
	v44 =	vmul.f32 $8.000000000e+00, v44  }
0xfb: {  	v61 =	vor.u32 v2, v49;
	v41 =	vld.idx.msk [tilespmem:v33+s10+$0x0], $0xffff;
	v35 =	vmul.f32 $8.000000000e+00, v35;
	[tilespmem:v62+s16+$0x0] =	vst.idx.msk $0xffff, v57;
	v62 =	vor.u32 $0x810, v13  }
0xfc: {  	v46 =	vor.u32 $0x1840, v6;
	v63 =	vor.u32 v3, v47;
	v48 =	vmul.f32 $8.000000000e+00, v48;
	v32 =	vld.idx.msk [tilespmem:v32+s10+$0x0], $0xffff;
	[tilespmem:v17+s16+$0x0] =	vst.idx.msk $0xffff, v44  }
0xfd: {  	v33 =	vshll.u32 v60, $0x6;
	v60 =	vor.u32 $0x800, v17;
	[tilespmem:v55+s16+$0x0] =	vst.idx.msk $0xffff, v35;
	v55 =	vmul.f32 $8.000000000e+00, v50;
	v38 =	vld.idx.msk [tilespmem:v38+s10+$0x0], $0xffff  }
0xfe: {  	v57 =	vor.u32 $0x1020, v9;
	v44 =	vld.idx.msk [tilespmem:v56+s10+$0x0], $0xffff;
	v56 =	vor.u32 v0, v33;
	[tilespmem:v58+s16+$0x0] =	vst.idx.msk $0xffff, v48;
	v43 =	vmul.f32 $8.000000000e+00, v43  }
0xff: {  	v50 =	vor.u32 $0x1000, v17;
	v58 =	vor.u32 v28, v14;
	v48 =	vor.u32 $0x1820, v9;
	[tilespmem:v59+s16+$0x0] =	vst.idx.msk $0xffff, v55  }
0x100: {  	v34 =	vld.idx.msk [tilespmem:v34+s10+$0x0], $0xffff;
	v41 =	vmul.f32 $8.000000000e+00, v41;
	v59 =	vor.u32 $0x60, v5;
	[tilespmem:v62+s16+$0x0] =	vst.idx.msk $0xffff, v43;
	v62 =	vor.u32 v3, v36  }
0x101: {  	v37 =	vshll.u32 v58, $0x6;
	v39 =	vld.idx.msk [tilespmem:v61+s10+$0x0], $0xffff;
	v61 =	vor.u32 v2, v54;
	v32 =	vmul.f32 $8.000000000e+00, v32  }
0x102: {  	v58 =	vor.u32 v27, v11;
	v35 =	vld.idx.msk [tilespmem:v63+s10+$0x0], $0xffff;
	v63 =	vor.u32 $0x1830, v7;
	[tilespmem:v46+s16+$0x0] =	vst.idx.msk $0xffff, v41;
	v38 =	vmul.f32 $8.000000000e+00, v38  }
0x103: {  	v55 =	vor.u32 $0x870, v30;
	v53 =	vor.u32 v0, v37;
	v46 =	vld.idx.msk [tilespmem:v56+s10+$0x0], $0xffff;
	v44 =	vmul.f32 $8.000000000e+00, v44;
	[tilespmem:v57+s16+$0x0] =	vst.idx.msk $0xffff, v32  }
0x104: {  	v45 =	vor.u32 v2, v37;
	v56 =	vor.u32 v3, v49;
	v42 =	vld.idx.msk [tilespmem:v42+s10+$0x0], $0xffff;
	[tilespmem:v60+s16+$0x0] =	vst.idx.msk $0xffff, v38  }
0x105: {  	v57 =	vor.u32 $0x1010, v13;
	v34 =	vmul.f32 $8.000000000e+00, v34;
	v38 =	vshll.u32 v58, $0x6;
	[tilespmem:v59+s16+$0x0] =	vst.idx.msk $0xffff, v44;
	v43 =	vld.idx.msk [tilespmem:v62+s10+$0x0], $0xffff  }
0x106: {  	v44 =	vor.u32 v4, v47;
	v47 =	vor.u32 $0x50, v6;
	v39 =	vmul.f32 $8.000000000e+00, v39;
	v40 =	vld.idx.msk [tilespmem:v61+s10+$0x0], $0xffff  }
0x107: {  	v59 =	vor.u32 v2, v33;
	v62 =	vor.u32 $0x40, v7;
	[tilespmem:v63+s16+$0x0] =	vst.idx.msk $0xffff, v34;
	v35 =	vmul.f32 $8.000000000e+00, v35  }
0x108: {  	v60 =	vld.idx.msk [tilespmem:v53+s10+$0x0], $0xffff;
	[tilespmem:v55+s16+$0x0] =	vst.idx.msk $0xffff, v39;
	v39 =	vor.u32 v0, v38;
	v63 =	vmul.f32 $8.000000000e+00, v46;
	v46 =	vor.u32 $0x860, v5  }
0x109: {  	v34 =	vor.u32 v18, v31;
	v55 =	vor.u32 v3, v33;
	v32 =	vld.idx.msk [tilespmem:v56+s10+$0x0], $0xffff;
	v56 =	vor.u32 v3, v54  }
0x10a: {  	[tilespmem:v57+s16+$0x0] =	vst.idx.msk $0xffff, v35;
	v57 =	vor.u32 v4, v36;
	v36 =	vor.u32 $0x1810, v13;
	v61 =	vmul.f32 $8.000000000e+00, v42  }
0x10b: {  	v44 =	vld.idx.msk [tilespmem:v44+s10+$0x0], $0xffff;
	[tilespmem:v47+s16+$0x0] =	vst.idx.msk $0xffff, v63;
	v63 =	vor.u32 $0x1070, v30;
	v58 =	vmul.f32 $8.000000000e+00, v43;
	v40 =	vmul.f32 $8.000000000e+00, v40  }
0x10c: {  	v43 =	vor.u32 v4, v49;
	v53 =	vld.idx.msk [tilespmem:v59+s10+$0x0], $0xffff;
	v59 =	vor.u32 v25, v21;
	[tilespmem:v48+s16+$0x0] =	vst.idx.msk $0xffff, v61  }
0x10d: {  	v54 =	vor.u32 v4, v54;
	v41 =	vshll.u32 v59, $0x6;
	v60 =	vmul.f32 $8.000000000e+00, v60;
	v39 =	vld.idx.msk [tilespmem:v39+s10+$0x0], $0xffff;
	[tilespmem:v46+s16+$0x0] =	vst.idx.msk $0xffff, v40  }
0x10e: {  	[tilespmem:v50+s16+$0x0] =	vst.idx.msk $0xffff, v58;
	v40 =	vor.u32 v0, v41;
	v46 =	vor.u32 $0x850, v6;
	v61 =	vmul.f32 $8.000000000e+00, v32;
	v51 =	vld.idx.msk [tilespmem:v56+s10+$0x0], $0xffff  }
0x10f: {  	v42 =	vor.u32 $0x840, v7;
	v30 =	vor.u32 $0x1870, v30;
	v35 =	vld.idx.msk [tilespmem:v57+s10+$0x0], $0xffff;
	[tilespmem:v62+s16+$0x0] =	vst.idx.msk $0xffff, v60;
	v56 =	vor.u32 $0x30, v9  }
0x110: {  	v60 =	vor.u32 $0x1060, v5;
	v62 =	vmul.f32 $8.000000000e+00, v44;
	v31 =	vld.idx.msk [tilespmem:v45+s10+$0x0], $0xffff;
	[tilespmem:v63+s16+$0x0] =	vst.idx.msk $0xffff, v61;
	v45 =	vor.u32 v2, v38  }
0x111: {  	v58 =	vor.u32 $0x1800, v17;
	v61 =	vor.u32 v24, v20;
	v63 =	vmul.f32 $8.000000000e+00, v53;
	v57 =	vld.idx.msk [tilespmem:v43+s10+$0x0], $0xffff  }
0x112: {  	s31 =	simm.s32 $0x7;
	v49 =	vor.u32 $0x20, v13;
	v44 =	vshll.u32 v61, $0x6;
	[tilespmem:v36+s16+$0x0] =	vst.idx.msk $0xffff, v62;
	v62 =	vmul.f32 $8.000000000e+00, v39  }
0x113: {  	v32 =	vadd.s32 s31, v0;
	v52 =	vor.u32 v0, v44;
	v48 =	vld.idx.msk [tilespmem:v40+s10+$0x0], $0xffff;
	[tilespmem:v46+s16+$0x0] =	vst.idx.msk $0xffff, v63;
	v63 =	vmul.f32 $8.000000000e+00, v51  }
0x114: {  	v43 =	vor.u32 v3, v37;
	v36 =	vand.u32 $0xF, v32;
	v35 =	vmul.f32 $8.000000000e+00, v35;
	v39 =	vld.idx.msk [tilespmem:v55+s10+$0x0], $0xffff;
	[tilespmem:v56+s16+$0x0] =	vst.idx.msk $0xffff, v62  }
0x115: {  	v50 =	vadd.s32 s31, v1;
	v47 =	vor.u32 v19, v36;
	v46 =	vld.idx.msk [tilespmem:v45+s10+$0x0], $0xffff;
	v45 =	vmul.f32 $8.000000000e+00, v31;
	[tilespmem:v60+s16+$0x0] =	vst.idx.msk $0xffff, v63  }
0x116: {  	s26 =	simm.s32 $0x8;
	v40 =	vor.u32 $0x1050, v6;
	v51 =	vor.u32 v2, v41;
	[tilespmem:v58+s16+$0x0] =	vst.idx.msk $0xffff, v35;
	v31 =	vmul.f32 $8.000000000e+00, v57;
	v35 =	vld.idx.msk [tilespmem:v54+s10+$0x0], $0xffff  }
.LBB2_3:
0x117: {  	p0 =	sne.s32 s26, $0xF;
	v47 =	vshll.u32 v47, $0x6;
	[tilespmem:v42+s16+$0x0] =	vst.idx.msk $0xffff, v45;
	v33 =	vor.u32 v4, v33;
	v34 =	vshll.u32 v34, $0x6;
	v45 =	vmovc v9  }
0x118: {  	v48 =	vmul.f32 $8.000000000e+00, v48;
	v42 =	vor.u32 v0, v47;
	v52 =	vld.idx.msk [tilespmem:v52+s10+$0x0], $0xffff;
	v53 =	vor.u32 $0x830, v45;
	[tilespmem:v30+s16+$0x0] =	vst.idx.msk $0xffff, v31  }
0x119: {  	v54 =	vor.u32 $0x1860, v5;
	v9 =	vmovc v13;
	v13 =	vmovc v17;
	v31 =	vor.u32 v3, v38;
	v39 =	vmul.f32 $8.000000000e+00, v39;
	v43 =	vld.idx.msk [tilespmem:v43+s10+$0x0], $0xffff  }
0x11a: {  	v17 =	vand.u32 $0x788, v50;
	v50 =	vand.u32 $0x7, v32;
	v30 =	vmovc v15;
	[tilespmem:v49+s16+$0x0] =	vst.idx.msk $0xffff, v48;
	v48 =	vor.u32 v0, v34  }
0x11b: {  	v12 =	vor.u32 v23, v12;
	v49 =	vor.u32 $0x10, v13;
	v46 =	vmul.f32 $8.000000000e+00, v46;
	v51 =	vld.idx.msk [tilespmem:v51+s10+$0x0], $0xffff;
	[tilespmem:v40+s16+$0x0] =	vst.idx.msk $0xffff, v39  }
0x11c: {  	v15 =	vmovc v20;
	v20 =	vmovc v32;
	v39 =	vor.u32 v2, v44;
	v40 =	vor.u32 $0x1040, v7;
	v35 =	vmul.f32 $8.000000000e+00, v35;
	v33 =	vld.idx.msk [tilespmem:v33+s10+$0x0], $0xffff  }
0x11d: {  	v37 =	vor.u32 v4, v37;
	v17 =	vor.u32 v22, v17;
	v32 =	vld.idx.msk [tilespmem:v42+s10+$0x0], $0xffff;
	[tilespmem:v53+s16+$0x0] =	vst.idx.msk $0xffff, v46  }
0x11e: {  	v42 =	vmul.f32 $8.000000000e+00, v52;
	v46 =	vor.u32 $0x820, v9;
	v52 =	vld.idx.msk [tilespmem:v31+s10+$0x0], $0xffff;
	v31 =	vshll.u32 v12, $0x6;
	[tilespmem:v54+s16+$0x0] =	vst.idx.msk $0xffff, v35;
	v12 =	vmovc v14  }
0x11f: {  	v53 =	vor.u32 $0x1850, v6;
	v35 =	vor.u32 v3, v41;
	v43 =	vmul.f32 $8.000000000e+00, v43;
	v14 =	vmovc v16;
	v16 =	vmovc v21;
	v48 =	vld.idx.msk [tilespmem:v48+s10+$0x0], $0xffff  }
0x120: {  	v17 =	vor.u32 v50, v17;
	v21 =	vmov v29;
	[tilespmem:v49+s16+$0x0] =	vst.idx.msk $0xffff, v42;
	v42 =	vor.u32 v0, v31  }
0x121: {  	v49 =	vor.u32 v2, v47;
	v50 =	vmul.f32 $8.000000000e+00, v51;
	v51 =	vor.u32 $0x1030, v45;
	v39 =	vld.idx.msk [tilespmem:v39+s10+$0x0], $0xffff;
	[tilespmem:v40+s16+$0x0] =	vst.idx.msk $0xffff, v43  }
0x122: {  	v38 =	vor.u32 v4, v38;
	v29 =	vmovc v36;
	v40 =	vmul.f32 $8.000000000e+00, v33;
	v43 =	vor.u32 $0x70, v5;
	v37 =	vld.idx.msk [tilespmem:v37+s10+$0x0], $0xffff  }
0x123: {  	v36 =	vor.u32 v2, v34;
	v33 =	vor.u32 v26, v10;
	v32 =	vmul.f32 $8.000000000e+00, v32;
	[tilespmem:v46+s16+$0x0] =	vst.idx.msk $0xffff, v50  }
0x124: {  	v33 =	vshll.u32 v33, $0x6;
	v46 =	vor.u32 $0x810, v13;
	v50 =	vmul.f32 $8.000000000e+00, v52;
	v35 =	vld.idx.msk [tilespmem:v35+s10+$0x0], $0xffff;
	[tilespmem:v53+s16+$0x0] =	vst.idx.msk $0xffff, v40  }
0x125: {  	v40 =	vor.u32 $0x1840, v7;
	v48 =	vmul.f32 $8.000000000e+00, v48;
	[tilespmem:v17+s16+$0x0] =	vst.idx.msk $0xffff, v32;
	v32 =	vor.u32 v3, v44;
	v42 =	vld.idx.msk [tilespmem:v42+s10+$0x0], $0xffff  }
0x126: {  	v49 =	vld.idx.msk [tilespmem:v49+s10+$0x0], $0xffff;
	[tilespmem:v51+s16+$0x0] =	vst.idx.msk $0xffff, v50;
	v50 =	vor.u32 v0, v33  }
0x127: {  	v52 =	vor.u32 v28, v14;
	v39 =	vmul.f32 $8.000000000e+00, v39;
	v51 =	vor.u32 $0x1020, v9;
	v38 =	vld.idx.msk [tilespmem:v38+s10+$0x0], $0xffff;
	[tilespmem:v43+s16+$0x0] =	vst.idx.msk $0xffff, v48  }
0x128: {  	v41 =	vor.u32 v4, v41;
	v43 =	vmul.f32 $8.000000000e+00, v37;
	v48 =	vor.u32 $0x60, v6;
	v36 =	vld.idx.msk [tilespmem:v36+s10+$0x0], $0xffff  }
0x129: {  	v53 =	vor.u32 $0x800, v17;
	v37 =	vshll.u32 v52, $0x6;
	[tilespmem:v46+s16+$0x0] =	vst.idx.msk $0xffff, v39;
	v39 =	vor.u32 v2, v31  }
0x12a: {  	v52 =	vor.u32 $0x1830, v45;
	v46 =	vor.u32 v3, v47;
	v35 =	vmul.f32 $8.000000000e+00, v35;
	v32 =	vld.idx.msk [tilespmem:v32+s10+$0x0], $0xffff;
	[tilespmem:v40+s16+$0x0] =	vst.idx.msk $0xffff, v43  }
0x12b: {  	v40 =	vor.u32 v0, v37;
	v42 =	vmul.f32 $8.000000000e+00, v42;
	v43 =	vld.idx.msk [tilespmem:v50+s10+$0x0], $0xffff;
	v50 =	vor.u32 $0x870, v5  }
0x12c: {  	v49 =	vmul.f32 $8.000000000e+00, v49;
	[tilespmem:v51+s16+$0x0] =	vst.idx.msk $0xffff, v35;
	v35 =	vor.u32 v3, v34  }
0x12d: {  	v51 =	vor.u32 $0x1010, v13;
	v38 =	vmul.f32 $8.000000000e+00, v38;
	v41 =	vld.idx.msk [tilespmem:v41+s10+$0x0], $0xffff;
	[tilespmem:v48+s16+$0x0] =	vst.idx.msk $0xffff, v42  }
0x12e: {  	v42 =	vor.u32 v4, v44;
	v44 =	vor.u32 $0x50, v7;
	v36 =	vmul.f32 $8.000000000e+00, v36;
	[tilespmem:v53+s16+$0x0] =	vst.idx.msk $0xffff, v49;
	v39 =	vld.idx.msk [tilespmem:v39+s10+$0x0], $0xffff  }
0x12f: {  	v48 =	vor.u32 v27, v30;
	v49 =	vor.u32 v2, v33;
	v46 =	vld.idx.msk [tilespmem:v46+s10+$0x0], $0xffff;
	[tilespmem:v52+s16+$0x0] =	vst.idx.msk $0xffff, v38  }
0x130: {  	v32 =	vmul.f32 $8.000000000e+00, v32;
	v52 =	vor.u32 $0x1820, v9;
	v38 =	vshll.u32 v48, $0x6;
	v40 =	vld.idx.msk [tilespmem:v40+s10+$0x0], $0xffff;
	[tilespmem:v50+s16+$0x0] =	vst.idx.msk $0xffff, v36  }
0x131: {  	v48 =	vor.u32 $0x860, v6;
	v36 =	vor.u32 v0, v38;
	v43 =	vmul.f32 $8.000000000e+00, v43;
	v35 =	vld.idx.msk [tilespmem:v35+s10+$0x0], $0xffff  }
0x132: {  	v50 =	vor.u32 $0x1000, v17;
	[tilespmem:v51+s16+$0x0] =	vst.idx.msk $0xffff, v32;
	v32 =	vor.u32 v3, v31  }
0x133: {  	v47 =	vor.u32 v4, v47;
	v41 =	vmul.f32 $8.000000000e+00, v41;
	v51 =	vor.u32 $0x40, v45;
	v42 =	vld.idx.msk [tilespmem:v42+s10+$0x0], $0xffff;
	[tilespmem:v44+s16+$0x0] =	vst.idx.msk $0xffff, v43  }
0x134: {  	v43 =	vor.u32 v2, v37;
	v39 =	vmul.f32 $8.000000000e+00, v39;
	v44 =	vld.idx.msk [tilespmem:v49+s10+$0x0], $0xffff;
	v49 =	vor.u32 $0x1070, v5  }
0x135: {  	v53 =	vor.u32 v25, v21;
	v46 =	vmul.f32 $8.000000000e+00, v46;
	[tilespmem:v52+s16+$0x0] =	vst.idx.msk $0xffff, v41;
	v52 =	vor.u32 v4, v34  }
0x136: {  	v54 =	vor.u32 $0x1810, v13;
	v41 =	vshll.u32 v53, $0x6;
	v34 =	vmul.f32 $8.000000000e+00, v40;
	v36 =	vld.idx.msk [tilespmem:v36+s10+$0x0], $0xffff;
	[tilespmem:v48+s16+$0x0] =	vst.idx.msk $0xffff, v39  }
0x137: {  	v40 =	vor.u32 $0x850, v7;
	v39 =	vor.u32 v0, v41;
	v35 =	vmul.f32 $8.000000000e+00, v35;
	[tilespmem:v50+s16+$0x0] =	vst.idx.msk $0xffff, v46;
	v46 =	vld.idx.msk [tilespmem:v32+s10+$0x0], $0xffff  }
0x138: {  	v32 =	vadd.s32 s26, v0;
	v50 =	vadd.s32 s26, v1;
	v47 =	vld.idx.msk [tilespmem:v47+s10+$0x0], $0xffff;
	[tilespmem:v51+s16+$0x0] =	vst.idx.msk $0xffff, v34;
	v51 =	vor.u32 v3, v33  }
0x139: {  	v53 =	vor.u32 $0x30, v9;
	v42 =	vmul.f32 $8.000000000e+00, v42;
	v34 =	vor.u32 v18, v8;
	v55 =	vld.idx.msk [tilespmem:v43+s10+$0x0], $0xffff;
	[tilespmem:v49+s16+$0x0] =	vst.idx.msk $0xffff, v35  }
0x13a: {  	v56 =	vor.u32 $0x1060, v6;
	v8 =	vmovc v10;
	v10 =	vmovc v11;
	v35 =	vor.u32 v2, v38;
	v43 =	vmul.f32 $8.000000000e+00, v44;
	v57 =	vld.idx.msk [tilespmem:v52+s10+$0x0], $0xffff  }
0x13b: {  	v58 =	vor.u32 $0x1800, v17;
	v31 =	vor.u32 v4, v31;
	v52 =	vor.u32 v24, v20;
	[tilespmem:v54+s16+$0x0] =	vst.idx.msk $0xffff, v42  }
.Ltmp0:
0x13c: {  	v11 =	vmovc v30;
	v44 =	vshll.u32 v52, $0x6;
	v49 =	vmul.f32 $8.000000000e+00, v36;
	v42 =	vor.u32 $0x840, v45;
	v48 =	vld.idx.msk [tilespmem:v39+s10+$0x0], $0xffff;
	[tilespmem:v40+s16+$0x0] =	vst.idx.msk $0xffff, v43;
	(pc) =	sbr.rel @p0 .LBB2_3-.Ltmp0, $4  }
0x13d: {  	v30 =	vor.u32 $0x1870, v5;
	v5 =	vmovc v6;
	v6 =	vmovc v7;
	v52 =	vor.u32 v0, v44;
	v40 =	vmul.f32 $8.000000000e+00, v46;
	v39 =	vld.idx.msk [tilespmem:v51+s10+$0x0], $0xffff  }
0x13e: {  	v7 =	vmovc v45;
	v36 =	vand.u32 $0xF, v32;
	v43 =	vor.u32 v3, v37;
	v51 =	vmul.f32 $8.000000000e+00, v47;
	[tilespmem:v53+s16+$0x0] =	vst.idx.msk $0xffff, v49  }
0x13f: {  	v47 =	vor.u32 v19, v36;
	v49 =	vor.u32 $0x20, v13;
	v45 =	vmul.f32 $8.000000000e+00, v55;
	v46 =	vld.idx.msk [tilespmem:v35+s10+$0x0], $0xffff;
	[tilespmem:v56+s16+$0x0] =	vst.idx.msk $0xffff, v40  }
0x140: {  	s26 =	sadd.s32 $0x1, s26;
	v40 =	vor.u32 $0x1050, v6;
	[tilespmem:v58+s16+$0x0] =	vst.idx.msk $0xffff, v51;
	v51 =	vor.u32 v2, v41;
	v35 =	vld.idx.msk [tilespmem:v31+s10+$0x0], $0xffff;
	v31 =	vmul.f32 $8.000000000e+00, v57  }
0x141: {  	v47 =	vshll.u32 v47, $0x6  }
0x142: {  	v19 =	vor.u32 v0, v47;
	_ =	sdelay $0x4  }
0x143: {  	v50 =	vand.u32 $0x788, v50;
	v53 =	vld.idx.msk [tilespmem:v19+s10+$0x0], $0xffff  }
0x144: {  	v57 =	vand.u32 $0x7, v32;
	v22 =	vor.u32 v22, v50  }
0x145: {  	v19 =	vor.u32 v57, v22  }
0x146: {  	v58 =	vor.u32 v2, v47;
	_ =	sdelay $0x1  }
0x147: {  	v59 =	vmul.f32 $8.000000000e+00, v53;
	_ =	sdelay $0x1  }
0x148: {  	[tilespmem:v19+s16+$0x0] =	vst.idx.msk $0xffff, v59  }
0x149: {  	v22 =	vld.idx.msk [tilespmem:v58+s10+$0x0], $0xffff;
	_ =	sdelay $0x1  }
0x14a: {  	v60 =	vor.u32 $0x800, v19  }
0x14b: {  	v61 =	vor.u32 v3, v47;
	_ =	sdelay $0x1  }
0x14c: {  	v22 =	vmul.f32 $8.000000000e+00, v22;
	_ =	sdelay $0x1  }
0x14d: {  	[tilespmem:v60+s16+$0x0] =	vst.idx.msk $0xffff, v22  }
0x14e: {  	v22 =	vld.idx.msk [tilespmem:v61+s10+$0x0], $0xffff;
	_ =	sdelay $0x1  }
0x14f: {  	v62 =	vor.u32 $0x1000, v19  }
0x150: {  	v47 =	vor.u32 v4, v47;
	_ =	sdelay $0x1  }
0x151: {  	v22 =	vmul.f32 $8.000000000e+00, v22;
	_ =	sdelay $0x1  }
0x152: {  	[tilespmem:v62+s16+$0x0] =	vst.idx.msk $0xffff, v22  }
0x153: {  	v22 =	vld.idx.msk [tilespmem:v47+s10+$0x0], $0xffff  }
0x154: {  	v24 =	vor.u32 v24, v32  }
0x155: {  	v24 =	vshll.u32 v24, $0x6;
	v63 =	vor.u32 $0x1800, v19  }
0x156: {  	v56 =	vor.u32 v0, v24;
	_ =	sdelay $0x1  }
0x157: {  	v22 =	vmul.f32 $8.000000000e+00, v22;
	_ =	sdelay $0x1  }
0x158: {  	v52 =	vld.idx.msk [tilespmem:v52+s10+$0x0], $0xffff;
	[tilespmem:v63+s16+$0x0] =	vst.idx.msk $0xffff, v22  }
0x159: {  	v22 =	vld.idx.msk [tilespmem:v56+s10+$0x0], $0xffff  }
0x15a: {  	v57 =	vor.u32 $0x10, v17  }
0x15b: {  	v59 =	vor.u32 $0x10, v19;
	v58 =	vor.u32 v2, v44  }
0x15c: {  	v54 =	vor.u32 v2, v24  }
0x15d: {  	v52 =	vmul.f32 $8.000000000e+00, v52  }
0x15e: {  	v22 =	vmul.f32 $8.000000000e+00, v22  }
0x15f: {  	[tilespmem:v57+s16+$0x0] =	vst.idx.msk $0xffff, v52  }
0x160: {  	v47 =	vld.idx.msk [tilespmem:v58+s10+$0x0], $0xffff;
	[tilespmem:v59+s16+$0x0] =	vst.idx.msk $0xffff, v22  }
0x161: {  	v22 =	vld.idx.msk [tilespmem:v54+s10+$0x0], $0xffff  }
0x162: {  	v60 =	vor.u32 $0x810, v17  }
0x163: {  	v61 =	vor.u32 v3, v44;
	v62 =	vor.u32 $0x810, v19  }
0x164: {  	v63 =	vor.u32 v3, v24  }
0x165: {  	v47 =	vmul.f32 $8.000000000e+00, v47  }
0x166: {  	v22 =	vmul.f32 $8.000000000e+00, v22  }
0x167: {  	[tilespmem:v60+s16+$0x0] =	vst.idx.msk $0xffff, v47  }
0x168: {  	v47 =	vld.idx.msk [tilespmem:v61+s10+$0x0], $0xffff;
	[tilespmem:v62+s16+$0x0] =	vst.idx.msk $0xffff, v22  }
0x169: {  	v22 =	vld.idx.msk [tilespmem:v63+s10+$0x0], $0xffff  }
0x16a: {  	v57 =	vor.u32 $0x1010, v17  }
0x16b: {  	v58 =	vor.u32 v4, v44;
	v59 =	vor.u32 $0x1010, v19  }
0x16c: {  	v24 =	vor.u32 v4, v24  }
0x16d: {  	v47 =	vmul.f32 $8.000000000e+00, v47  }
0x16e: {  	v22 =	vmul.f32 $8.000000000e+00, v22  }
0x16f: {  	[tilespmem:v57+s16+$0x0] =	vst.idx.msk $0xffff, v47  }
0x170: {  	v44 =	vld.idx.msk [tilespmem:v58+s10+$0x0], $0xffff;
	[tilespmem:v59+s16+$0x0] =	vst.idx.msk $0xffff, v22  }
0x171: {  	v60 =	vor.u32 v25, v29;
	v24 =	vld.idx.msk [tilespmem:v24+s10+$0x0], $0xffff  }
0x172: {  	v61 =	vor.u32 $0x1810, v17;
	v62 =	vor.u32 v25, v36;
	v22 =	vshll.u32 v60, $0x6  }
0x173: {  	v56 =	vor.u32 $0x1810, v19;
	v25 =	vshll.u32 v62, $0x6;
	v63 =	vor.u32 v0, v22  }
0x174: {  	v57 =	vor.u32 v0, v25  }
0x175: {  	v44 =	vmul.f32 $8.000000000e+00, v44  }
0x176: {  	v24 =	vmul.f32 $8.000000000e+00, v24  }
0x177: {  	[tilespmem:v61+s16+$0x0] =	vst.idx.msk $0xffff, v44  }
0x178: {  	v44 =	vld.idx.msk [tilespmem:v63+s10+$0x0], $0xffff;
	[tilespmem:v56+s16+$0x0] =	vst.idx.msk $0xffff, v24  }
0x179: {  	v24 =	vld.idx.msk [tilespmem:v57+s10+$0x0], $0xffff  }
0x17a: {  	v58 =	vor.u32 $0x20, v17  }
0x17b: {  	v60 =	vor.u32 $0x20, v19;
	v59 =	vor.u32 v2, v22  }
0x17c: {  	v48 =	vmul.f32 $8.000000000e+00, v48;
	v61 =	vor.u32 v2, v25  }
0x17d: {  	v44 =	vmul.f32 $8.000000000e+00, v44  }
0x17e: {  	[tilespmem:v49+s16+$0x0] =	vst.idx.msk $0xffff, v48;
	v24 =	vmul.f32 $8.000000000e+00, v24  }
0x17f: {  	v48 =	vld.idx.msk [tilespmem:v51+s10+$0x0], $0xffff;
	[tilespmem:v58+s16+$0x0] =	vst.idx.msk $0xffff, v44  }
0x180: {  	v44 =	vld.idx.msk [tilespmem:v59+s10+$0x0], $0xffff;
	[tilespmem:v60+s16+$0x0] =	vst.idx.msk $0xffff, v24  }
0x181: {  	v62 =	vor.u32 $0x820, v13;
	v63 =	vld.idx.msk [tilespmem:v61+s10+$0x0], $0xffff  }
0x182: {  	v56 =	vor.u32 v3, v41;
	v57 =	vor.u32 $0x820, v17  }
0x183: {  	v58 =	vor.u32 v3, v22;
	v59 =	vor.u32 $0x820, v19  }
0x184: {  	v48 =	vmul.f32 $8.000000000e+00, v48;
	v60 =	vor.u32 v3, v25  }
0x185: {  	v44 =	vmul.f32 $8.000000000e+00, v44  }
0x186: {  	[tilespmem:v62+s16+$0x0] =	vst.idx.msk $0xffff, v48;
	v61 =	vmul.f32 $8.000000000e+00, v63  }
0x187: {  	v62 =	vld.idx.msk [tilespmem:v56+s10+$0x0], $0xffff;
	[tilespmem:v57+s16+$0x0] =	vst.idx.msk $0xffff, v44  }
0x188: {  	v44 =	vld.idx.msk [tilespmem:v58+s10+$0x0], $0xffff;
	[tilespmem:v59+s16+$0x0] =	vst.idx.msk $0xffff, v61  }
0x189: {  	v63 =	vor.u32 $0x1020, v13;
	v52 =	vld.idx.msk [tilespmem:v60+s10+$0x0], $0xffff  }
0x18a: {  	v53 =	vor.u32 v4, v41;
	v54 =	vor.u32 $0x1020, v17  }
0x18b: {  	v55 =	vor.u32 $0x1020, v19;
	v22 =	vor.u32 v4, v22  }
0x18c: {  	v25 =	vor.u32 v4, v25;
	v47 =	vmul.f32 $8.000000000e+00, v62  }
0x18d: {  	v44 =	vmul.f32 $8.000000000e+00, v44  }
0x18e: {  	[tilespmem:v63+s16+$0x0] =	vst.idx.msk $0xffff, v47;
	v56 =	vmul.f32 $8.000000000e+00, v52  }
0x18f: {  	v41 =	vld.idx.msk [tilespmem:v53+s10+$0x0], $0xffff;
	[tilespmem:v54+s16+$0x0] =	vst.idx.msk $0xffff, v44  }
0x190: {  	v57 =	vor.u32 v27, v15;
	v58 =	vor.u32 $0x1820, v13;
	v22 =	vld.idx.msk [tilespmem:v22+s10+$0x0], $0xffff;
	[tilespmem:v55+s16+$0x0] =	vst.idx.msk $0xffff, v56  }
0x191: {  	v59 =	vor.u32 v27, v20;
	v61 =	vor.u32 v27, v32;
	v44 =	vshll.u32 v57, $0x6;
	v25 =	vld.idx.msk [tilespmem:v25+s10+$0x0], $0xffff  }
0x192: {  	v60 =	vor.u32 $0x1820, v17;
	v48 =	vshll.u32 v59, $0x6;
	v47 =	vor.u32 v0, v44  }
0x193: {  	v27 =	vshll.u32 v61, $0x6;
	v62 =	vor.u32 v0, v48;
	v63 =	vor.u32 $0x1820, v19  }
0x194: {  	v56 =	vor.u32 v0, v27;
	v41 =	vmul.f32 $8.000000000e+00, v41  }
0x195: {  	v22 =	vmul.f32 $8.000000000e+00, v22  }
0x196: {  	[tilespmem:v58+s16+$0x0] =	vst.idx.msk $0xffff, v41;
	v57 =	vmul.f32 $8.000000000e+00, v25  }
0x197: {  	v58 =	vld.idx.msk [tilespmem:v47+s10+$0x0], $0xffff;
	[tilespmem:v60+s16+$0x0] =	vst.idx.msk $0xffff, v22  }
0x198: {  	v22 =	vld.idx.msk [tilespmem:v62+s10+$0x0], $0xffff;
	[tilespmem:v63+s16+$0x0] =	vst.idx.msk $0xffff, v57  }
0x199: {  	v59 =	vor.u32 $0x30, v13;
	v60 =	vld.idx.msk [tilespmem:v56+s10+$0x0], $0xffff  }
0x19a: {  	v61 =	vor.u32 v2, v44;
	v62 =	vor.u32 $0x30, v17  }
0x19b: {  	v63 =	vor.u32 v2, v48;
	v56 =	vor.u32 $0x30, v19  }
0x19c: {  	v57 =	vor.u32 v2, v27;
	v25 =	vmul.f32 $8.000000000e+00, v58  }
0x19d: {  	v58 =	vor.u32 $0x830, v9;
	v22 =	vmul.f32 $8.000000000e+00, v22  }
0x19e: {  	[tilespmem:v59+s16+$0x0] =	vst.idx.msk $0xffff, v25;
	v59 =	vor.u32 v3, v38;
	v60 =	vmul.f32 $8.000000000e+00, v60  }
0x19f: {  	v61 =	vld.idx.msk [tilespmem:v61+s10+$0x0], $0xffff;
	[tilespmem:v62+s16+$0x0] =	vst.idx.msk $0xffff, v22  }
0x1a0: {  	v62 =	vmul.f32 $8.000000000e+00, v46;
	v46 =	vld.idx.msk [tilespmem:v63+s10+$0x0], $0xffff;
	[tilespmem:v56+s16+$0x0] =	vst.idx.msk $0xffff, v60  }
0x1a1: {  	v63 =	vor.u32 $0x830, v13;
	v56 =	vld.idx.msk [tilespmem:v57+s10+$0x0], $0xffff  }
0x1a2: {  	[tilespmem:v58+s16+$0x0] =	vst.idx.msk $0xffff, v62;
	v58 =	vor.u32 $0x830, v17;
	v57 =	vor.u32 v3, v44  }
0x1a3: {  	v24 =	vld.idx.msk [tilespmem:v59+s10+$0x0], $0xffff;
	v59 =	vor.u32 v3, v48;
	v60 =	vor.u32 $0x830, v19  }
0x1a4: {  	v41 =	vmul.f32 $8.000000000e+00, v61;
	v61 =	vor.u32 v3, v27  }
0x1a5: {  	v62 =	vor.u32 $0x1030, v9;
	v46 =	vmul.f32 $8.000000000e+00, v46  }
0x1a6: {  	[tilespmem:v63+s16+$0x0] =	vst.idx.msk $0xffff, v41;
	v63 =	vor.u32 v4, v38;
	v47 =	vmul.f32 $8.000000000e+00, v56  }
0x1a7: {  	[tilespmem:v58+s16+$0x0] =	vst.idx.msk $0xffff, v46;
	v22 =	vld.idx.msk [tilespmem:v57+s10+$0x0], $0xffff  }
0x1a8: {  	v24 =	vmul.f32 $8.000000000e+00, v24;
	v54 =	vld.idx.msk [tilespmem:v59+s10+$0x0], $0xffff;
	[tilespmem:v60+s16+$0x0] =	vst.idx.msk $0xffff, v47  }
0x1a9: {  	v55 =	vor.u32 $0x1030, v13;
	v56 =	vld.idx.msk [tilespmem:v61+s10+$0x0], $0xffff  }
0x1aa: {  	v58 =	vor.u32 $0x1030, v17;
	v57 =	vor.u32 v4, v44;
	[tilespmem:v62+s16+$0x0] =	vst.idx.msk $0xffff, v24  }
0x1ab: {  	v59 =	vor.u32 v4, v48;
	v25 =	vld.idx.msk [tilespmem:v63+s10+$0x0], $0xffff;
	v60 =	vor.u32 $0x1030, v19  }
0x1ac: {  	v27 =	vor.u32 v4, v27;
	v61 =	vor.u32 v28, v16;
	v22 =	vmul.f32 $8.000000000e+00, v22  }
0x1ad: {  	v62 =	vor.u32 $0x1830, v9;
	v49 =	vshll.u32 v61, $0x6;
	v41 =	vmul.f32 $8.000000000e+00, v54  }
0x1ae: {  	v63 =	vor.u32 v0, v49;
	[tilespmem:v55+s16+$0x0] =	vst.idx.msk $0xffff, v22;
	v52 =	vmul.f32 $8.000000000e+00, v56  }
0x1af: {  	v53 =	vor.u32 v28, v21;
	[tilespmem:v58+s16+$0x0] =	vst.idx.msk $0xffff, v41;
	v24 =	vld.idx.msk [tilespmem:v57+s10+$0x0], $0xffff  }
0x1b0: {  	v38 =	vshll.u32 v53, $0x6;
	v25 =	vmul.f32 $8.000000000e+00, v25;
	v41 =	vld.idx.msk [tilespmem:v59+s10+$0x0], $0xffff;
	[tilespmem:v60+s16+$0x0] =	vst.idx.msk $0xffff, v52  }
0x1b1: {  	v54 =	vor.u32 v0, v38;
	v22 =	vor.u32 $0x1830, v13;
	v55 =	vor.u32 v28, v29;
	v27 =	vld.idx.msk [tilespmem:v27+s10+$0x0], $0xffff  }
0x1b2: {  	v56 =	vor.u32 $0x1830, v17;
	v57 =	vor.u32 v28, v36;
	[tilespmem:v62+s16+$0x0] =	vst.idx.msk $0xffff, v25;
	v25 =	vshll.u32 v55, $0x6  }
0x1b3: {  	v28 =	vshll.u32 v57, $0x6;
	v58 =	vld.idx.msk [tilespmem:v63+s10+$0x0], $0xffff;
	v59 =	vor.u32 v0, v25;
	v60 =	vor.u32 $0x1830, v19  }
0x1b4: {  	v61 =	vor.u32 v0, v28;
	v24 =	vmul.f32 $8.000000000e+00, v24  }
0x1b5: {  	[tilespmem:v42+s16+$0x0] =	vst.idx.msk $0xffff, v45;
	v62 =	vor.u32 $0x40, v9;
	v41 =	vmul.f32 $8.000000000e+00, v41  }
0x1b6: {  	v43 =	vld.idx.msk [tilespmem:v43+s10+$0x0], $0xffff;
	v63 =	vor.u32 v2, v49;
	[tilespmem:v22+s16+$0x0] =	vst.idx.msk $0xffff, v24;
	v52 =	vmul.f32 $8.000000000e+00, v27  }
0x1b7: {  	[tilespmem:v56+s16+$0x0] =	vst.idx.msk $0xffff, v41;
	v24 =	vld.idx.msk [tilespmem:v54+s10+$0x0], $0xffff  }
0x1b8: {  	v53 =	vor.u32 $0x1040, v7;
	v54 =	vmul.f32 $8.000000000e+00, v58;
	v55 =	vld.idx.msk [tilespmem:v59+s10+$0x0], $0xffff;
	[tilespmem:v60+s16+$0x0] =	vst.idx.msk $0xffff, v52  }
0x1b9: {  	v57 =	vor.u32 $0x40, v13;
	v56 =	vor.u32 v4, v37;
	v58 =	vld.idx.msk [tilespmem:v61+s10+$0x0], $0xffff  }
0x1ba: {  	v59 =	vor.u32 v2, v38;
	[tilespmem:v62+s16+$0x0] =	vst.idx.msk $0xffff, v54;
	v60 =	vor.u32 $0x40, v17  }
0x1bb: {  	v43 =	vmul.f32 $8.000000000e+00, v43;
	v62 =	vor.u32 $0x40, v19;
	v45 =	vld.idx.msk [tilespmem:v63+s10+$0x0], $0xffff;
	v61 =	vor.u32 v2, v25  }
0x1bc: {  	v63 =	vor.u32 v2, v28;
	v24 =	vmul.f32 $8.000000000e+00, v24  }
0x1bd: {  	v51 =	vor.u32 $0x840, v9;
	[tilespmem:v53+s16+$0x0] =	vst.idx.msk $0xffff, v43;
	v52 =	vmul.f32 $8.000000000e+00, v55  }
0x1be: {  	v53 =	vor.u32 v3, v49;
	v22 =	vld.idx.msk [tilespmem:v56+s10+$0x0], $0xffff;
	[tilespmem:v57+s16+$0x0] =	vst.idx.msk $0xffff, v24;
	v54 =	vmul.f32 $8.000000000e+00, v58  }
0x1bf: {  	v55 =	vor.u32 v26, v10;
	[tilespmem:v60+s16+$0x0] =	vst.idx.msk $0xffff, v52;
	v41 =	vld.idx.msk [tilespmem:v59+s10+$0x0], $0xffff  }
0x1c0: {  	v42 =	vor.u32 $0x1840, v7;
	v37 =	vshll.u32 v55, $0x6;
	v56 =	vmul.f32 $8.000000000e+00, v45;
	v57 =	vld.idx.msk [tilespmem:v61+s10+$0x0], $0xffff;
	[tilespmem:v62+s16+$0x0] =	vst.idx.msk $0xffff, v54  }
0x1c1: {  	v58 =	vor.u32 v0, v37;
	v59 =	vor.u32 $0x840, v13;
	v60 =	vld.idx.msk [tilespmem:v63+s10+$0x0], $0xffff  }
0x1c2: {  	v61 =	vor.u32 v3, v38;
	[tilespmem:v51+s16+$0x0] =	vst.idx.msk $0xffff, v56;
	v62 =	vor.u32 $0x840, v17  }
0x1c3: {  	v22 =	vmul.f32 $8.000000000e+00, v22;
	v54 =	vor.u32 $0x840, v19;
	v44 =	vld.idx.msk [tilespmem:v53+s10+$0x0], $0xffff;
	v63 =	vor.u32 v3, v25  }
0x1c4: {  	v55 =	vor.u32 v3, v28;
	v41 =	vmul.f32 $8.000000000e+00, v41  }
0x1c5: {  	v56 =	vor.u32 $0x1040, v9;
	[tilespmem:v42+s16+$0x0] =	vst.idx.msk $0xffff, v22;
	v57 =	vmul.f32 $8.000000000e+00, v57  }
0x1c6: {  	v24 =	vld.idx.msk [tilespmem:v58+s10+$0x0], $0xffff;
	v58 =	vor.u32 v4, v49;
	[tilespmem:v59+s16+$0x0] =	vst.idx.msk $0xffff, v41;
	v59 =	vmul.f32 $8.000000000e+00, v60  }
0x1c7: {  	[tilespmem:v62+s16+$0x0] =	vst.idx.msk $0xffff, v57;
	v27 =	vld.idx.msk [tilespmem:v61+s10+$0x0], $0xffff  }
0x1c8: {  	v60 =	vor.u32 $0x50, v7;
	v61 =	vmul.f32 $8.000000000e+00, v44;
	v62 =	vld.idx.msk [tilespmem:v63+s10+$0x0], $0xffff;
	[tilespmem:v54+s16+$0x0] =	vst.idx.msk $0xffff, v59  }
0x1c9: {  	v63 =	vor.u32 $0x1040, v13;
	v52 =	vld.idx.msk [tilespmem:v55+s10+$0x0], $0xffff  }
0x1ca: {  	v28 =	vor.u32 v4, v28;
	[tilespmem:v56+s16+$0x0] =	vst.idx.msk $0xffff, v61;
	v56 =	vor.u32 $0x1040, v17;
	v55 =	vor.u32 v4, v38  }
0x1cb: {  	v25 =	vor.u32 v4, v25;
	v57 =	vor.u32 $0x1040, v19;
	v24 =	vmul.f32 $8.000000000e+00, v24;
	v43 =	vld.idx.msk [tilespmem:v58+s10+$0x0], $0xffff  }
0x1cc: {  	v53 =	vor.u32 v2, v37;
	v58 =	vor.u32 v26, v11;
	v27 =	vmul.f32 $8.000000000e+00, v27  }
0x1cd: {  	v59 =	vor.u32 $0x1840, v9;
	[tilespmem:v60+s16+$0x0] =	vst.idx.msk $0xffff, v24;
	v24 =	vshll.u32 v58, $0x6;
	v44 =	vmul.f32 $8.000000000e+00, v62  }
0x1ce: {  	v48 =	vor.u32 v0, v24;
	[tilespmem:v63+s16+$0x0] =	vst.idx.msk $0xffff, v27;
	v60 =	vmul.f32 $8.000000000e+00, v52  }
0x1cf: {  	v61 =	vor.u32 v26, v15;
	[tilespmem:v56+s16+$0x0] =	vst.idx.msk $0xffff, v44;
	v22 =	vld.idx.msk [tilespmem:v55+s10+$0x0], $0xffff  }
0x1d0: {  	v42 =	vor.u32 $0x1840, v17;
	v54 =	vor.u32 v26, v20;
	v62 =	vmul.f32 $8.000000000e+00, v43;
	v25 =	vld.idx.msk [tilespmem:v25+s10+$0x0], $0xffff;
	[tilespmem:v57+s16+$0x0] =	vst.idx.msk $0xffff, v60  }
0x1d1: {  	v41 =	vshll.u32 v61, $0x6;
	v38 =	vshll.u32 v54, $0x6;
	v63 =	vor.u32 $0x1840, v13;
	v28 =	vld.idx.msk [tilespmem:v28+s10+$0x0], $0xffff  }
0x1d2: {  	v45 =	vld.idx.msk [tilespmem:v53+s10+$0x0], $0xffff;
	v43 =	vor.u32 v0, v41;
	v55 =	vor.u32 v26, v32;
	[tilespmem:v59+s16+$0x0] =	vst.idx.msk $0xffff, v62  }
0x1d3: {  	v46 =	vor.u32 v0, v38;
	v26 =	vshll.u32 v55, $0x6;
	v57 =	vor.u32 $0x1840, v19;
	v56 =	vld.idx.msk [tilespmem:v48+s10+$0x0], $0xffff  }
0x1d4: {  	v58 =	vor.u32 $0x850, v7;
	v59 =	vor.u32 v0, v26;
	v22 =	vmul.f32 $8.000000000e+00, v22  }
0x1d5: {  	v61 =	vor.u32 $0x50, v9;
	v60 =	vor.u32 v3, v37;
	v25 =	vmul.f32 $8.000000000e+00, v25  }
0x1d6: {  	v62 =	vor.u32 v2, v24;
	[tilespmem:v63+s16+$0x0] =	vst.idx.msk $0xffff, v22;
	v63 =	vmul.f32 $8.000000000e+00, v28  }
0x1d7: {  	v53 =	vmul.f32 $8.000000000e+00, v45;
	[tilespmem:v42+s16+$0x0] =	vst.idx.msk $0xffff, v25;
	v54 =	vld.idx.msk [tilespmem:v43+s10+$0x0], $0xffff  }
0x1d8: {  	v55 =	vor.u32 v4, v33;
	v56 =	vmul.f32 $8.000000000e+00, v56;
	v42 =	vld.idx.msk [tilespmem:v46+s10+$0x0], $0xffff;
	[tilespmem:v57+s16+$0x0] =	vst.idx.msk $0xffff, v63  }
0x1d9: {  	[tilespmem:v58+s16+$0x0] =	vst.idx.msk $0xffff, v53;
	v57 =	vor.u32 $0x50, v13;
	v58 =	vld.idx.msk [tilespmem:v59+s10+$0x0], $0xffff  }
0x1da: {  	v39 =	vmul.f32 $8.000000000e+00, v39;
	[tilespmem:v61+s16+$0x0] =	vst.idx.msk $0xffff, v56;
	v61 =	vor.u32 $0x50, v17;
	v59 =	vld.idx.msk [tilespmem:v60+s10+$0x0], $0xffff;
	v60 =	vor.u32 v2, v41  }
0x1db: {  	v52 =	vor.u32 $0x50, v19;
	v63 =	vor.u32 v2, v38;
	v62 =	vld.idx.msk [tilespmem:v62+s10+$0x0], $0xffff  }
0x1dc: {  	[tilespmem:v40+s16+$0x0] =	vst.idx.msk $0xffff, v39;
	v53 =	vor.u32 $0x1050, v7;
	v28 =	vmul.f32 $8.000000000e+00, v54;
	v54 =	vor.u32 v2, v26  }
0x1dd: {  	v25 =	vld.idx.msk [tilespmem:v55+s10+$0x0], $0xffff;
	v55 =	vor.u32 $0x850, v9;
	v42 =	vmul.f32 $8.000000000e+00, v42  }
0x1de: {  	v12 =	vor.u32 v23, v12;
	v56 =	vor.u32 v3, v24;
	[tilespmem:v57+s16+$0x0] =	vst.idx.msk $0xffff, v28;
	v57 =	vmul.f32 $8.000000000e+00, v58  }
0x1df: {  	v12 =	vshll.u32 v12, $0x6;
	[tilespmem:v61+s16+$0x0] =	vst.idx.msk $0xffff, v42;
	v58 =	vmul.f32 $8.000000000e+00, v59;
	v28 =	vld.idx.msk [tilespmem:v60+s10+$0x0], $0xffff  }
0x1e0: {  	v37 =	vor.u32 v4, v37;
	v59 =	vor.u32 $0x1850, v6;
	v61 =	vmul.f32 $8.000000000e+00, v62;
	v44 =	vld.idx.msk [tilespmem:v63+s10+$0x0], $0xffff;
	[tilespmem:v52+s16+$0x0] =	vst.idx.msk $0xffff, v57  }
0x1e1: {  	v60 =	vor.u32 v0, v12;
	v62 =	vor.u32 $0x850, v13;
	[tilespmem:v53+s16+$0x0] =	vst.idx.msk $0xffff, v58;
	v63 =	vld.idx.msk [tilespmem:v54+s10+$0x0], $0xffff  }
0x1e2: {  	[tilespmem:v55+s16+$0x0] =	vst.idx.msk $0xffff, v61;
	v52 =	vor.u32 v3, v41;
	v53 =	vor.u32 $0x850, v17  }
0x1e3: {  	v25 =	vmul.f32 $8.000000000e+00, v25;
	v55 =	vor.u32 $0x850, v19;
	v43 =	vld.idx.msk [tilespmem:v56+s10+$0x0], $0xffff;
	v54 =	vor.u32 v3, v38  }
0x1e4: {  	v57 =	vor.u32 v3, v26;
	v28 =	vmul.f32 $8.000000000e+00, v28  }
0x1e5: {  	v37 =	vld.idx.msk [tilespmem:v37+s10+$0x0], $0xffff;
	[tilespmem:v59+s16+$0x0] =	vst.idx.msk $0xffff, v25;
	v59 =	vor.u32 $0x1050, v9;
	v44 =	vmul.f32 $8.000000000e+00, v44  }
0x1e6: {  	v24 =	vor.u32 v4, v24;
	v42 =	vld.idx.msk [tilespmem:v60+s10+$0x0], $0xffff;
	[tilespmem:v62+s16+$0x0] =	vst.idx.msk $0xffff, v28;
	v60 =	vmul.f32 $8.000000000e+00, v63  }
0x1e7: {  	v14 =	vor.u32 v23, v14;
	[tilespmem:v53+s16+$0x0] =	vst.idx.msk $0xffff, v44;
	v28 =	vld.idx.msk [tilespmem:v52+s10+$0x0], $0xffff  }
0x1e8: {  	v14 =	vshll.u32 v14, $0x6;
	v56 =	vor.u32 $0x1850, v7;
	v62 =	vmul.f32 $8.000000000e+00, v43;
	v63 =	vld.idx.msk [tilespmem:v54+s10+$0x0], $0xffff;
	[tilespmem:v55+s16+$0x0] =	vst.idx.msk $0xffff, v60  }
0x1e9: {  	v47 =	vor.u32 v23, v29;
	v49 =	vor.u32 $0x1050, v13;
	v58 =	vor.u32 v0, v14;
	v50 =	vld.idx.msk [tilespmem:v57+s10+$0x0], $0xffff  }
0x1ea: {  	v51 =	vor.u32 v4, v41;
	v48 =	vor.u32 $0x1850, v17;
	v52 =	vor.u32 $0x1050, v17;
	[tilespmem:v59+s16+$0x0] =	vst.idx.msk $0xffff, v62  }
0x1eb: {  	v38 =	vor.u32 v4, v38;
	v61 =	vmul.f32 $8.000000000e+00, v37;
	v54 =	vor.u32 $0x1050, v19;
	v24 =	vld.idx.msk [tilespmem:v24+s10+$0x0], $0xffff  }
0x1ec: {  	v22 =	vor.u32 v2, v12;
	v26 =	vor.u32 v4, v26;
	v28 =	vmul.f32 $8.000000000e+00, v28  }
0x1ed: {  	[tilespmem:v56+s16+$0x0] =	vst.idx.msk $0xffff, v61;
	v55 =	vor.u32 v23, v16;
	v56 =	vor.u32 $0x1850, v9;
	v39 =	vmul.f32 $8.000000000e+00, v63  }
0x1ee: {  	v43 =	vor.u32 $0x60, v6;
	v60 =	vor.u32 v2, v14;
	v25 =	vld.idx.msk [tilespmem:v58+s10+$0x0], $0xffff;
	[tilespmem:v49+s16+$0x0] =	vst.idx.msk $0xffff, v28;
	v59 =	vmul.f32 $8.000000000e+00, v50  }
0x1ef: {  	v61 =	vor.u32 v23, v21;
	v16 =	vshll.u32 v55, $0x6;
	v57 =	vor.u32 $0x60, v7;
	[tilespmem:v52+s16+$0x0] =	vst.idx.msk $0xffff, v39;
	v33 =	vld.idx.msk [tilespmem:v51+s10+$0x0], $0xffff  }
0x1f0: {  	v21 =	vshll.u32 v61, $0x6;
	v58 =	vor.u32 v0, v16;
	v24 =	vmul.f32 $8.000000000e+00, v24;
	v37 =	vld.idx.msk [tilespmem:v38+s10+$0x0], $0xffff;
	[tilespmem:v54+s16+$0x0] =	vst.idx.msk $0xffff, v59  }
0x1f1: {  	v62 =	vor.u32 $0x1850, v13;
	v53 =	vmul.f32 $8.000000000e+00, v42;
	v63 =	vor.u32 v0, v21;
	v26 =	vld.idx.msk [tilespmem:v26+s10+$0x0], $0xffff  }
0x1f2: {  	v49 =	vor.u32 v23, v36;
	v52 =	vor.u32 $0x1850, v19;
	[tilespmem:v56+s16+$0x0] =	vst.idx.msk $0xffff, v24;
	v24 =	vshll.u32 v47, $0x6  }
0x1f3: {  	[tilespmem:v43+s16+$0x0] =	vst.idx.msk $0xffff, v53;
	v25 =	vmul.f32 $8.000000000e+00, v25;
	v23 =	vshll.u32 v49, $0x6;
	v51 =	vor.u32 v0, v24  }
0x1f4: {  	v22 =	vld.idx.msk [tilespmem:v22+s10+$0x0], $0xffff;
	v53 =	vor.u32 v0, v23;
	v33 =	vmul.f32 $8.000000000e+00, v33  }
0x1f5: {  	[tilespmem:v57+s16+$0x0] =	vst.idx.msk $0xffff, v25;
	v50 =	vld.idx.msk [tilespmem:v58+s10+$0x0], $0xffff;
	v37 =	vmul.f32 $8.000000000e+00, v37  }
0x1f6: {  	v56 =	vor.u32 $0x860, v6;
	v28 =	vld.idx.msk [tilespmem:v60+s10+$0x0], $0xffff;
	[tilespmem:v62+s16+$0x0] =	vst.idx.msk $0xffff, v33;
	v26 =	vmul.f32 $8.000000000e+00, v26  }
0x1f7: {  	v54 =	vor.u32 $0x60, v9;
	[tilespmem:v48+s16+$0x0] =	vst.idx.msk $0xffff, v37;
	v33 =	vld.idx.msk [tilespmem:v63+s10+$0x0], $0xffff  }
0x1f8: {  	v57 =	vor.u32 v3, v12;
	v58 =	vor.u32 $0x860, v7;
	v59 =	vld.idx.msk [tilespmem:v51+s10+$0x0], $0xffff;
	[tilespmem:v52+s16+$0x0] =	vst.idx.msk $0xffff, v26  }
0x1f9: {  	v61 =	vor.u32 $0x60, v13;
	v55 =	vor.u32 v2, v16;
	v22 =	vmul.f32 $8.000000000e+00, v22;
	v40 =	vld.idx.msk [tilespmem:v53+s10+$0x0], $0xffff  }
0x1fa: {  	v62 =	vor.u32 v2, v21;
	v36 =	vmul.f32 $8.000000000e+00, v50;
	v63 =	vor.u32 $0x60, v17  }
0x1fb: {  	v47 =	vor.u32 $0x60, v19;
	v46 =	vor.u32 v2, v24;
	[tilespmem:v56+s16+$0x0] =	vst.idx.msk $0xffff, v22;
	v28 =	vmul.f32 $8.000000000e+00, v28  }
0x1fc: {  	v49 =	vor.u32 v2, v23;
	[tilespmem:v54+s16+$0x0] =	vst.idx.msk $0xffff, v36;
	v48 =	vmul.f32 $8.000000000e+00, v33  }
0x1fd: {  	v60 =	vor.u32 v3, v14;
	v29 =	vld.idx.msk [tilespmem:v57+s10+$0x0], $0xffff;
	[tilespmem:v58+s16+$0x0] =	vst.idx.msk $0xffff, v28;
	v51 =	vmul.f32 $8.000000000e+00, v59  }
0x1fe: {  	v45 =	vld.idx.msk [tilespmem:v55+s10+$0x0], $0xffff;
	[tilespmem:v61+s16+$0x0] =	vst.idx.msk $0xffff, v48;
	v53 =	vmul.f32 $8.000000000e+00, v40  }
0x1ff: {  	v54 =	vor.u32 $0x1060, v6;
	[tilespmem:v63+s16+$0x0] =	vst.idx.msk $0xffff, v51;
	v25 =	vld.idx.msk [tilespmem:v62+s10+$0x0], $0xffff  }
0x200: {  	v50 =	vor.u32 $0x860, v9;
	v55 =	vor.u32 v4, v12;
	v58 =	vld.idx.msk [tilespmem:v46+s10+$0x0], $0xffff;
	[tilespmem:v47+s16+$0x0] =	vst.idx.msk $0xffff, v53  }
0x201: {  	v8 =	vor.u32 v18, v8;
	v52 =	vor.u32 v3, v16;
	v59 =	vor.u32 $0x860, v13;
	v27 =	vld.idx.msk [tilespmem:v49+s10+$0x0], $0xffff  }
0x202: {  	v26 =	vld.idx.msk [tilespmem:v60+s10+$0x0], $0xffff;
	v60 =	vor.u32 v3, v21;
	v29 =	vmul.f32 $8.000000000e+00, v29;
	v61 =	vor.u32 $0x860, v17  }
0x203: {  	v63 =	vor.u32 $0x860, v19;
	v57 =	vmul.f32 $8.000000000e+00, v45;
	v62 =	vor.u32 v3, v24  }
0x204: {  	v8 =	vshll.u32 v8, $0x6;
	v43 =	vor.u32 v3, v23;
	[tilespmem:v54+s16+$0x0] =	vst.idx.msk $0xffff, v29;
	v25 =	vmul.f32 $8.000000000e+00, v25  }
0x205: {  	v38 =	vor.u32 v18, v15;
	v56 =	vor.u32 $0x1060, v7;
	v33 =	vld.idx.msk [tilespmem:v55+s10+$0x0], $0xffff;
	[tilespmem:v50+s16+$0x0] =	vst.idx.msk $0xffff, v57;
	v45 =	vmul.f32 $8.000000000e+00, v58  }
0x206: {  	v44 =	vor.u32 $0x1060, v9;
	v23 =	vor.u32 v4, v23;
	v37 =	vld.idx.msk [tilespmem:v52+s10+$0x0], $0xffff;
	[tilespmem:v59+s16+$0x0] =	vst.idx.msk $0xffff, v25;
	v47 =	vmul.f32 $8.000000000e+00, v27  }
0x207: {  	v14 =	vor.u32 v4, v14;
	v12 =	vshll.u32 v34, $0x6;
	v46 =	vor.u32 $0x1860, v5;
	[tilespmem:v61+s16+$0x0] =	vst.idx.msk $0xffff, v45;
	v49 =	vld.idx.msk [tilespmem:v60+s10+$0x0], $0xffff  }
0x208: {  	v42 =	vor.u32 $0x1860, v13;
	v48 =	vor.u32 v0, v12;
	v26 =	vmul.f32 $8.000000000e+00, v26;
	v52 =	vld.idx.msk [tilespmem:v62+s10+$0x0], $0xffff;
	[tilespmem:v63+s16+$0x0] =	vst.idx.msk $0xffff, v47  }
0x209: {  	v16 =	vor.u32 v4, v16;
	v21 =	vor.u32 v4, v21;
	v55 =	vor.u32 $0x1060, v13;
	v29 =	vld.idx.msk [tilespmem:v43+s10+$0x0], $0xffff  }
0x20a: {  	v54 =	vor.u32 v0, v8;
	[tilespmem:v56+s16+$0x0] =	vst.idx.msk $0xffff, v26;
	v50 =	vmul.f32 $8.000000000e+00, v35;
	v56 =	vor.u32 $0x1060, v17  }
0x20b: {  	v24 =	vor.u32 v4, v24;
	v58 =	vor.u32 $0x1060, v19;
	v51 =	vmul.f32 $8.000000000e+00, v37  }
0x20c: {  	v15 =	vshll.u32 v38, $0x6;
	v57 =	vor.u32 v18, v10;
	v14 =	vld.idx.msk [tilespmem:v14+s10+$0x0], $0xffff;
	[tilespmem:v46+s16+$0x0] =	vst.idx.msk $0xffff, v50;
	v27 =	vmul.f32 $8.000000000e+00, v49  }
0x20d: {  	v53 =	vor.u32 $0x1860, v6;
	v10 =	vshll.u32 v57, $0x6;
	v25 =	vld.idx.msk [tilespmem:v48+s10+$0x0], $0xffff;
	[tilespmem:v44+s16+$0x0] =	vst.idx.msk $0xffff, v51;
	v35 =	vmul.f32 $8.000000000e+00, v52  }
0x20e: {  	v33 =	vmul.f32 $8.000000000e+00, v33;
	v46 =	vor.u32 v18, v32;
	v16 =	vld.idx.msk [tilespmem:v16+s10+$0x0], $0xffff;
	[tilespmem:v55+s16+$0x0] =	vst.idx.msk $0xffff, v27;
	v62 =	vmul.f32 $8.000000000e+00, v29  }
0x20f: {  	v59 =	vor.u32 $0x1860, v7;
	v61 =	vor.u32 v18, v11;
	v45 =	vor.u32 $0x1860, v17;
	[tilespmem:v56+s16+$0x0] =	vst.idx.msk $0xffff, v35;
	v21 =	vld.idx.msk [tilespmem:v21+s10+$0x0], $0xffff  }
0x210: {  	v60 =	vor.u32 v0, v10;
	v11 =	vshll.u32 v61, $0x6;
	v63 =	vor.u32 $0x1860, v9;
	v24 =	vld.idx.msk [tilespmem:v24+s10+$0x0], $0xffff;
	[tilespmem:v58+s16+$0x0] =	vst.idx.msk $0xffff, v62  }
0x211: {  	v48 =	vor.u32 $0x1860, v19;
	v41 =	vor.u32 v0, v11;
	v44 =	vor.u32 v18, v20;
	v23 =	vld.idx.msk [tilespmem:v23+s10+$0x0], $0xffff  }
0x212: {  	v14 =	vmul.f32 $8.000000000e+00, v14;
	v43 =	vor.u32 v0, v15;
	v20 =	vshll.u32 v44, $0x6  }
0x213: {  	[tilespmem:v53+s16+$0x0] =	vst.idx.msk $0xffff, v33;
	v18 =	vshll.u32 v46, $0x6;
	v47 =	vor.u32 v0, v20;
	v16 =	vmul.f32 $8.000000000e+00, v16  }
0x214: {  	v33 =	vld.idx.msk [tilespmem:v54+s10+$0x0], $0xffff;
	v50 =	vor.u32 v0, v18;
	[tilespmem:v59+s16+$0x0] =	vst.idx.msk $0xffff, v14;
	v49 =	vmul.f32 $8.000000000e+00, v21  }
0x215: {  	v51 =	vor.u32 $0x70, v5;
	v52 =	vld.idx.msk [tilespmem:v60+s10+$0x0], $0xffff;
	[tilespmem:v63+s16+$0x0] =	vst.idx.msk $0xffff, v16;
	v53 =	vmul.f32 $8.000000000e+00, v24  }
0x216: {  	v54 =	vor.u32 v2, v12;
	v55 =	vor.u32 $0x70, v6;
	v26 =	vld.idx.msk [tilespmem:v41+s10+$0x0], $0xffff;
	[tilespmem:v42+s16+$0x0] =	vst.idx.msk $0xffff, v49;
	v56 =	vmul.f32 $8.000000000e+00, v23  }
0x217: {  	v57 =	vor.u32 v2, v8;
	v58 =	vor.u32 $0x70, v7;
	[tilespmem:v45+s16+$0x0] =	vst.idx.msk $0xffff, v53;
	v34 =	vld.idx.msk [tilespmem:v43+s10+$0x0], $0xffff  }
0x218: {  	v61 =	vor.u32 $0x70, v9;
	v59 =	vmul.f32 $8.000000000e+00, v25;
	v60 =	vor.u32 v2, v10;
	v22 =	vld.idx.msk [tilespmem:v47+s10+$0x0], $0xffff;
	[tilespmem:v48+s16+$0x0] =	vst.idx.msk $0xffff, v56  }
0x219: {  	v40 =	vor.u32 $0x70, v13;
	v62 =	vmul.f32 $8.000000000e+00, v33;
	v63 =	vor.u32 v2, v11;
	v21 =	vld.idx.msk [tilespmem:v50+s10+$0x0], $0xffff  }
0x21a: {  	[tilespmem:v51+s16+$0x0] =	vst.idx.msk $0xffff, v59;
	v41 =	vmul.f32 $8.000000000e+00, v52;
	v42 =	vor.u32 v2, v15;
	v43 =	vor.u32 $0x70, v17  }
0x21b: {  	v46 =	vor.u32 $0x70, v19;
	[tilespmem:v55+s16+$0x0] =	vst.idx.msk $0xffff, v62;
	v24 =	vld.idx.msk [tilespmem:v54+s10+$0x0], $0xffff;
	v45 =	vor.u32 v2, v20;
	v44 =	vmul.f32 $8.000000000e+00, v26  }
0x21c: {  	[tilespmem:v58+s16+$0x0] =	vst.idx.msk $0xffff, v41;
	v23 =	vld.idx.msk [tilespmem:v57+s10+$0x0], $0xffff;
	v48 =	vor.u32 v2, v18;
	v47 =	vmul.f32 $8.000000000e+00, v34  }
0x21d: {  	v49 =	vor.u32 $0x870, v5;
	v25 =	vld.idx.msk [tilespmem:v60+s10+$0x0], $0xffff;
	[tilespmem:v61+s16+$0x0] =	vst.idx.msk $0xffff, v44;
	v50 =	vmul.f32 $8.000000000e+00, v22  }
0x21e: {  	v51 =	vor.u32 v3, v12;
	v52 =	vor.u32 $0x870, v6;
	v32 =	vld.idx.msk [tilespmem:v63+s10+$0x0], $0xffff;
	[tilespmem:v40+s16+$0x0] =	vst.idx.msk $0xffff, v47;
	v53 =	vmul.f32 $8.000000000e+00, v21  }
0x21f: {  	v55 =	vor.u32 $0x870, v7;
	v54 =	vor.u32 v3, v8;
	[tilespmem:v43+s16+$0x0] =	vst.idx.msk $0xffff, v50;
	v35 =	vld.idx.msk [tilespmem:v42+s10+$0x0], $0xffff  }
0x220: {  	v58 =	vor.u32 $0x870, v9;
	v57 =	vor.u32 v3, v10;
	v56 =	vmul.f32 $8.000000000e+00, v24;
	v26 =	vld.idx.msk [tilespmem:v45+s10+$0x0], $0xffff;
	[tilespmem:v46+s16+$0x0] =	vst.idx.msk $0xffff, v53  }
0x221: {  	v60 =	vor.u32 v3, v11;
	v61 =	vor.u32 $0x870, v13;
	v59 =	vmul.f32 $8.000000000e+00, v23;
	v27 =	vld.idx.msk [tilespmem:v48+s10+$0x0], $0xffff  }
0x222: {  	v37 =	vor.u32 $0x870, v17;
	v63 =	vor.u32 v3, v15;
	[tilespmem:v49+s16+$0x0] =	vst.idx.msk $0xffff, v56;
	v62 =	vmul.f32 $8.000000000e+00, v25  }
0x223: {  	v39 =	vor.u32 v3, v20;
	v22 =	vld.idx.msk [tilespmem:v51+s10+$0x0], $0xffff;
	[tilespmem:v52+s16+$0x0] =	vst.idx.msk $0xffff, v59;
	v40 =	vor.u32 $0x870, v19;
	v38 =	vmul.f32 $8.000000000e+00, v32  }
0x224: {  	[tilespmem:v55+s16+$0x0] =	vst.idx.msk $0xffff, v62;
	v21 =	vld.idx.msk [tilespmem:v54+s10+$0x0], $0xffff;
	v42 =	vor.u32 v3, v18;
	v41 =	vmul.f32 $8.000000000e+00, v35  }
0x225: {  	v43 =	vor.u32 $0x1070, v5;
	v24 =	vld.idx.msk [tilespmem:v57+s10+$0x0], $0xffff;
	[tilespmem:v58+s16+$0x0] =	vst.idx.msk $0xffff, v38;
	v44 =	vmul.f32 $8.000000000e+00, v26  }
0x226: {  	v12 =	vor.u32 v4, v12;
	v45 =	vor.u32 $0x1070, v6;
	v23 =	vld.idx.msk [tilespmem:v60+s10+$0x0], $0xffff;
	[tilespmem:v61+s16+$0x0] =	vst.idx.msk $0xffff, v41;
	v46 =	vmul.f32 $8.000000000e+00, v27  }
0x227: {  	v8 =	vor.u32 v4, v8;
	v47 =	vor.u32 $0x1070, v7;
	[tilespmem:v37+s16+$0x0] =	vst.idx.msk $0xffff, v44;
	v25 =	vld.idx.msk [tilespmem:v63+s10+$0x0], $0xffff  }
0x228: {  	v10 =	vor.u32 v4, v10;
	v49 =	vor.u32 $0x1070, v9;
	v48 =	vmul.f32 $8.000000000e+00, v22;
	v28 =	vld.idx.msk [tilespmem:v39+s10+$0x0], $0xffff;
	[tilespmem:v40+s16+$0x0] =	vst.idx.msk $0xffff, v46  }
0x229: {  	v11 =	vor.u32 v4, v11;
	v51 =	vor.u32 $0x1070, v13;
	v50 =	vmul.f32 $8.000000000e+00, v21;
	v52 =	vld.idx.msk [tilespmem:v42+s10+$0x0], $0xffff  }
0x22a: {  	v15 =	vor.u32 v4, v15;
	v54 =	vor.u32 $0x1070, v17;
	[tilespmem:v43+s16+$0x0] =	vst.idx.msk $0xffff, v48;
	v53 =	vmul.f32 $8.000000000e+00, v24  }
0x22b: {  	v20 =	vor.u32 v4, v20;
	v56 =	vor.u32 $0x1070, v19;
	v12 =	vld.idx.msk [tilespmem:v12+s10+$0x0], $0xffff;
	[tilespmem:v45+s16+$0x0] =	vst.idx.msk $0xffff, v50;
	v55 =	vmul.f32 $8.000000000e+00, v23  }
0x22c: {  	v18 =	vor.u32 v4, v18;
	[tilespmem:v47+s16+$0x0] =	vst.idx.msk $0xffff, v53;
	v8 =	vld.idx.msk [tilespmem:v8+s10+$0x0], $0xffff;
	v57 =	vmul.f32 $8.000000000e+00, v25  }
0x22d: {  	v5 =	vor.u32 $0x1870, v5;
	v10 =	vld.idx.msk [tilespmem:v10+s10+$0x0], $0xffff;
	[tilespmem:v49+s16+$0x0] =	vst.idx.msk $0xffff, v55;
	v58 =	vmul.f32 $8.000000000e+00, v28  }
0x22e: {  	v6 =	vor.u32 $0x1870, v6;
	v11 =	vld.idx.msk [tilespmem:v11+s10+$0x0], $0xffff;
	[tilespmem:v51+s16+$0x0] =	vst.idx.msk $0xffff, v57;
	v59 =	vmul.f32 $8.000000000e+00, v52  }
0x22f: {  	v7 =	vor.u32 $0x1870, v7;
	[tilespmem:v54+s16+$0x0] =	vst.idx.msk $0xffff, v58;
	v15 =	vld.idx.msk [tilespmem:v15+s10+$0x0], $0xffff  }
0x230: {  	v60 =	vor.u32 $0x1870, v9;
	v12 =	vmul.f32 $8.000000000e+00, v12;
	v14 =	vld.idx.msk [tilespmem:v20+s10+$0x0], $0xffff;
	[tilespmem:v56+s16+$0x0] =	vst.idx.msk $0xffff, v59  }
0x231: {  	[tilespmem:v30+s16+$0x0] =	vst.idx.msk $0xffff, v31;
	v61 =	vor.u32 $0x1870, v13;
	v8 =	vmul.f32 $8.000000000e+00, v8;
	v16 =	vld.idx.msk [tilespmem:v18+s10+$0x0], $0xffff  }
0x232: {  	s26 =	sadd.s32 s5, s22;
	v62 =	vor.u32 $0x1870, v17;
	[tilespmem:v5+s16+$0x0] =	vst.idx.msk $0xffff, v12;
	v5 =	vmul.f32 $8.000000000e+00, v10  }
0x233: {  	s28 =	sshrl.u32 s26, $0x5;
	v63 =	vor.u32 $0x1870, v19;
	[tilespmem:v6+s16+$0x0] =	vst.idx.msk $0xffff, v8;
	v6 =	vmul.f32 $8.000000000e+00, v11  }
0x234: {  	s26 =	sshll.u32 s26, $0xA;
	s29 =	sshll.u32 s28, $0xF;
	[tilespmem:v7+s16+$0x0] =	vst.idx.msk $0xffff, v5;
	v5 =	vmul.f32 $8.000000000e+00, v15  }
0x235: {  	s28 =	sshll.u32 s28, $0x12;
	s26 =	ssub.s32 s26, s29;
	[tilespmem:v60+s16+$0x0] =	vst.idx.msk $0xffff, v6;
	v6 =	vmul.f32 $8.000000000e+00, v14  }
0x236: {  	s26 =	sadd.s32 s28, s26;
	[tilespmem:v61+s16+$0x0] =	vst.idx.msk $0xffff, v5;
	v5 =	vmul.f32 $8.000000000e+00, v16  }
0x237: {  	s28 =	sshrl.u32 s26, $0x3;
	[tilespmem:v62+s16+$0x0] =	vst.idx.msk $0xffff, v6  }
0x238: {  	s30 =	sadd.s32 $0xE400, s25;
	s29 =	sadd.s32 $0x5, s23;
	s28 =	sadd.s32 s2, s28;
	[tilespmem:v63+s16+$0x0] =	vst.idx.msk $0xffff, v5  }
0x239: {  	[hbm4b:s28+s3] =	stream.linear.scatter [tilespmem:s30], [sflag:s29], $0x400, $0x38;
	[tilespmem:$0x16400] =	vst v63  }
0x23a: {  	s30 =	sadd.s32 $0x8000, s26  }
0x23b: {  	s28 =	sshrl.u32 s30, $0x3  }
0x23c: {  	s31 =	sadd.s32 $0xE800, s25;
	s30 =	sadd.s32 $0x10000, s26;
	s28 =	sadd.s32 s2, s28  }
0x23d: {  	[hbm4b:s28+s3] =	stream.linear.scatter [tilespmem:s31], [sflag:s29], $0x400, $0x38;
	[tilespmem:$0x16400] =	vst v63  }
0x23e: {  	s28 =	sshrl.u32 s30, $0x3  }
0x23f: {  	s31 =	sadd.s32 $0xEC00, s25;
	s30 =	sadd.s32 $0x18000, s26;
	s28 =	sadd.s32 s2, s28  }
0x240: {  	[hbm4b:s28+s3] =	stream.linear.scatter [tilespmem:s31], [sflag:s29], $0x400, $0x38;
	[tilespmem:$0x16400] =	vst v63  }
0x241: {  	s28 =	sshrl.u32 s30, $0x3  }
0x242: {  	s31 =	sadd.s32 $0xF000, s25;
	s30 =	sadd.s32 $0x20000, s26;
	s28 =	sadd.s32 s2, s28  }
0x243: {  	[hbm4b:s28+s3] =	stream.linear.scatter [tilespmem:s31], [sflag:s29], $0x400, $0x38;
	[tilespmem:$0x16400] =	vst v63  }
0x244: {  	s28 =	sshrl.u32 s30, $0x3  }
0x245: {  	s31 =	sadd.s32 $0xF400, s25;
	s30 =	sadd.s32 $0x28000, s26;
	s28 =	sadd.s32 s2, s28  }
0x246: {  	[hbm4b:s28+s3] =	stream.linear.scatter [tilespmem:s31], [sflag:s29], $0x400, $0x38;
	[tilespmem:$0x16400] =	vst v63  }
0x247: {  	p0 =	sgt.u32 s22, $0xC3;
	s28 =	sshrl.u32 s30, $0x3  }
0x248: {  	s31 =	sadd.s32 $0xF800, s25;
	s30 =	sadd.s32 $0x30000, s26;
	s28 =	sadd.s32 s2, s28  }
0x249: {  	[hbm4b:s28+s3] =	stream.linear.scatter [tilespmem:s31], [sflag:s29], $0x400, $0x38;
	[tilespmem:$0x16400] =	vst v63  }
0x24a: {  	s23 =	sshll.u32 @!p0 s23, $0xD;
	s28 =	sshrl.u32 s30, $0x3  }
0x24b: {  	s26 =	sadd.s32 $0x38000, s26;
	s31 =	sadd.s32 $0xFC00, s25;
	s28 =	sadd.s32 s2, s28  }
0x24c: {  	[hbm4b:s28+s3] =	stream.linear.scatter [tilespmem:s31], [sflag:s29], $0x400, $0x38;
	[tilespmem:$0x16400] =	vst v63  }
0x24d: {  	s26 =	sshrl.u32 s26, $0x3;
	s31 =	sor.u32 $0x10000, s25;
	s25 =	sshll.u32 @!p0 s22, $0x7  }
0x24e: {  	s23 =	sadd.s32 @!p0 $0x6400, s23;
	s26 =	sadd.s32 s2, s26;
	s25 =	sand.u32 @!p0 $0x3FFFFF80, s25  }
0x24f: {  	[hbm4b:s26+s3] =	stream.linear.scatter [tilespmem:s31], [sflag:s29], $0x400, $0x38;
	[tilespmem:$0x16400] =	vst v63  }
0x250: {  	s22 =	sadd.s32 $0x1, s22;
	s25 =	sadd.s32 @!p0 $0x200, s25;
	s26 =	simm.s32 @!p0 $0x80  }
0x251: {  	[tilespmem:s23], [sflag:s24] =	stream.indirect.gather @!p0 [hbm4b:s4+s26], $0x40, s25, s26, $0xb8;
	[tilespmem:$0x16400] =	vst v63  }
0x252: {  	p0 =	sne.s32 s22, $0xC8  }
.Ltmp1:
0x253: {  	_ = 	snop;
	(pc) =	sbr.rel @p0 .LBB2_2-.Ltmp1, $1  }
0x254: {  	_ =	sdelay $0x3  }
0x255: {  	_ =	swait.ge [sflag:s17], $0x2000  }
0x256: {  	[sflag:s17] =	ssyncset.done $0x0  }
0x257: {  	[sflag:s17] =	ssyncadd.s32 $0xFFFFE000  }
0x258: {  	_ =	swait.ge [sflag:s18], $0x2000  }
0x259: {  	[sflag:s18] =	ssyncset.done $0x0  }
0x25a: {  	s21 =	sadd.s32 $0x1, s21;
	[sflag:s18] =	ssyncadd.s32 $0xFFFFE000  }
0x25b: {  	p0 =	sne.s32 s21, s7;
	_ =	swait.ge [sflag:s19], $0x2000  }
.Ltmp2:
0x25c: {  	[sflag:s19] =	ssyncset.done $0x0;
	(pc) =	sbr.rel @p0 .LBB2_1-.Ltmp2, $4  }
0x25d: {  	[sflag:s19] =	ssyncadd.s32 $0xFFFFE000  }
0x25e: {  	_ =	swait.ge [sflag:s20], $0x2000  }
0x25f: {  	[sflag:s20] =	ssyncset.done $0x0  }
0x260: {  	[sflag:s20] =	ssyncadd.s32 $0xFFFFE000  }
0x261: {  	_ =	sfence.sel $0x180000  }
0x262: {  	[bflag:$0x0] =	sbarrier.arrive $0xFFFF  }
0x263: {  	p0 =	sne.s32 s0, $0x0;
	_ =	strace $0x90000047  }
0x264: {  	s0 =	sadd.s32 @!p0 $0x100000, s1;
	[bflag:$0x2] =	sbarrier.arrive $0xFFFF  }
0x265: {  	[sflag:s0] =	ssyncadd.tile.s32 @!p0 $0x1;
	_ =	shalt  }
.Lfunc_end2:
_tile_overlayer_lowered:
.L_overlay_start_2:
0x266: {  	(tag) =	ssettag $0x2  }
0x267: {  	s0 =	rddreg [dreg:$0x0];
	s2 =	stileid.u32  }
0x268: {  	s1 =	rddreg [dreg:$0x1];
	p0 =	sne.s32 s2, $0x0  }
0x269: {  	s3 =	rddreg [dreg:$0x2];
	[bflag:$0x3] =	sbarrier.arrive $0xFFFF;
	s2 =	simm.s32 @!p0 $0x1C09  }
0x26a: {  	[timem:s3], [sflag:s2] =	dma.local @!p0 [hbm:s0], s1  }
0x26b: {  	s0 =	simm.s32 @!p0 $0x9  }
0x26c: {  	_ =	swait.ge @!p0 [sflag:s0], s1  }
0x26d: {  	s1 =	ssub.s32 @!p0 $0x0, s1;
	[sflag:s0] =	ssyncset.done @!p0 $0x0  }
0x26e: {  	[sflag:s0] =	ssyncadd.s32 @!p0 s1  }
0x26f: {  	[bflag:$0x3] =	sbarrier.arrive $0xFFFF  }
0x270: {  	_ =	shalt  }

</sc_bundles>
